<compile_context>
chip_gen: v7x
topology: tpu7x:2x2x1
jax: 0.10.2.dev20260603
libtpu: 0.0.44.dev20260713+nightly
codegen_flags: <defaults>
</compile_context>

<pallas_src>
import functools

import jax
import jax.numpy as jnp
from jax import lax
from jax.experimental import pallas as pl
from jax.experimental.pallas import tpu as pltpu
from jax.experimental.pallas import tpu_sc as plsc

B, N, K, C_IN, D = 4, 2048, 16, 480, 64
KP1 = K + 1
TQ = 512
TM = 512
TA = 256
NW = 32
CHUNK = 128
TBL = 256


def _knn_body(xyz_q_ref, xyz_r_ref, ft_ref, xyzp_ref, w1_ref, b1_ref,
              w2_ref, b2_ref, ws_ref, bs_ref, wq_ref, bq_ref, wk_ref,
              bk_ref, wv_ref, bv_ref, dw1t_ref, out_ref, x_ref, q_ref,
              tbl_ref, p_ref):
    b = pl.program_id(0)
    t_id = pl.program_id(1)

    ftc = ft_ref[0]
    tdot = lambda a, w: jax.lax.dot_general(
        a, w, dimension_numbers=(((0,), (0,)), ((), ())),
        preferred_element_type=jnp.float32)
    h = jnp.maximum(tdot(ftc, w1_ref[...]) + b1_ref[...], 0.0)
    x = (jnp.dot(h, w2_ref[...], preferred_element_type=jnp.float32)
         + b2_ref[...]
         + tdot(ftc, ws_ref[...])
         + bs_ref[...])
    xq = jnp.dot(x, wq_ref[...], preferred_element_type=jnp.float32) + bq_ref[...]
    xk = jnp.dot(x, wk_ref[...], preferred_element_type=jnp.float32) + bk_ref[...]
    xv = jnp.dot(x, wv_ref[...], preferred_element_type=jnp.float32) + bv_ref[...]
    p = jnp.dot(xyzp_ref[0], dw1t_ref[...], preferred_element_type=jnp.float32)
    x_ref[0] = x
    q_ref[0] = xq
    p_ref[0] = p
    tbl_ref[0] = jnp.concatenate(
        [xk, xv, p, jnp.zeros((TQ, D), jnp.float32)], axis=1)

    q = xyz_q_ref[0]
    r = xyz_r_ref[0]
    sq_q = jnp.sum(q * q, axis=1, keepdims=True)
    sq_r = jnp.sum(r * r, axis=0, keepdims=True)
    inner = jax.lax.dot_general(
        q, r, dimension_numbers=(((1,), (0,)), ((), ())),
        preferred_element_type=jnp.float32,
        precision=jax.lax.Precision.HIGHEST)
    d2 = sq_q + sq_r - 2.0 * inner
    colf = jax.lax.broadcasted_iota(jnp.int32, (TQ, N), 1).astype(jnp.float32)
    bigf = jnp.float32(2.0 * N)
    inf = jnp.float32(jnp.inf)
    rowf = (jax.lax.broadcasted_iota(jnp.int32, (TQ, 1), 0)
            + t_id * TQ).astype(jnp.float32)
    d2 = jnp.where(colf == rowf, inf, d2)
    picks = []
    for _ in range(K):
        m = jnp.min(d2, axis=1, keepdims=True)
        t = jnp.where(d2 <= m, colf, bigf)
        am = jnp.min(t, axis=1, keepdims=True)
        picks.append(am)
        d2 = jnp.where(colf == am, inf, d2)
    idx = jnp.concatenate(picks, axis=1).astype(jnp.int32)
    out_ref[0] = idx + b * N


def _knn_mlp(xyz_pm, xyz_cm, feature_cm, xyz_p16, weights, bsz):
    full = lambda shape: pl.BlockSpec(shape, lambda b, t: tuple(0 for _ in shape))
    wspecs = [full(w.shape) for w in weights]
    return pl.pallas_call(
        _knn_body,
        grid=(bsz, N // TQ),
        in_specs=[
            pl.BlockSpec((1, TQ, 8), lambda b, t: (b, t, 0)),
            pl.BlockSpec((1, 8, N), lambda b, t: (b, 0, 0)),
            pl.BlockSpec((1, C_IN, TQ), lambda b, t: (b, 0, t)),
            pl.BlockSpec((1, TQ, 16), lambda b, t: (b, t, 0)),
        ] + wspecs,
        out_specs=[
            pl.BlockSpec((1, TQ, K), lambda b, t: (b, t, 0)),
            pl.BlockSpec((1, TQ, D), lambda b, t: (b, t, 0)),
            pl.BlockSpec((1, TQ, D), lambda b, t: (b, t, 0)),
            pl.BlockSpec((1, TQ, TBL), lambda b, t: (b, t, 0)),
            pl.BlockSpec((1, TQ, D), lambda b, t: (b, t, 0)),
        ],
        out_shape=[
            jax.ShapeDtypeStruct((bsz, N, K), jnp.int32),
            jax.ShapeDtypeStruct((bsz, N, D), jnp.float32),
            jax.ShapeDtypeStruct((bsz, N, D), jnp.float32),
            jax.ShapeDtypeStruct((bsz, N, TBL), jnp.float32),
            jax.ShapeDtypeStruct((bsz, N, D), jnp.float32),
        ],
        compiler_params=pltpu.CompilerParams(
            dimension_semantics=("parallel", "parallel")),
    )(xyz_pm, xyz_cm, feature_cm, xyz_p16, *weights)


def _sc_gather(table, flat_idx2d, bsz):
    rows = bsz * N * K
    per_w = rows // NW
    n_chunks = per_w // CHUNK
    mesh = plsc.VectorSubcoreMesh(core_axis_name="c", subcore_axis_name="s")

    @functools.partial(
        pl.kernel,
        mesh=mesh,
        out_type=jax.ShapeDtypeStruct((rows, TBL), jnp.float32),
        scratch_types=[
            pltpu.VMEM((n_chunks, CHUNK), jnp.int32),
            pltpu.VMEM((CHUNK, TBL), jnp.float32),
            pltpu.VMEM((CHUNK, TBL), jnp.float32),
            pltpu.SemaphoreType.DMA,
            pltpu.SemaphoreType.DMA,
            pltpu.SemaphoreType.DMA,
            pltpu.SemaphoreType.DMA,
        ],
    )
    def gather_k(table_hbm, idx_hbm, out_hbm, idx_v, rows_a, rows_b,
                 g_sem_a, g_sem_b, s_sem_a, s_sem_b):
        wid = lax.axis_index("s") * 2 + lax.axis_index("c")
        base = wid * per_w
        pltpu.sync_copy(idx_hbm.at[pl.ds(wid * n_chunks, n_chunks)], idx_v)

        def body(i, _):
            hs = []
            for b, rows_v, g_sem in ((0, rows_a, g_sem_a), (1, rows_b, g_sem_b)):
                c = 2 * i + b
                hs.append(pltpu.async_copy(
                    table_hbm.at[idx_v.at[c]], rows_v, g_sem))
            ss = []
            for b, rows_v, g_sem, s_sem in (
                    (0, rows_a, g_sem_a, s_sem_a),
                    (1, rows_b, g_sem_b, s_sem_b)):
                c = 2 * i + b
                hs[b].wait()
                ss.append(pltpu.async_copy(
                    rows_v, out_hbm.at[pl.ds(base + c * CHUNK, CHUNK)], s_sem))
            for h in ss:
                h.wait()
            return ()

        lax.fori_loop(0, n_chunks // 2, body, (), unroll=False)

    return gather_k(table, flat_idx2d)


def _attn_body(g_ref, q_ref, x_ref, p_ref, db1_ref, dw2_ref,
               db2_ref, gw1_ref, gb1_ref, gw2_ref, gb2_ref, awr_ref, ab_ref,
               m1_ref, mb1_ref, m2_ref, mb2_ref, res_ref, comp_ref):
    M = TA * K
    g = g_ref[0]
    k_l = g[:, :D]
    v_l = g[:, D:2 * D]
    p_l = g[:, 2 * D:3 * D]
    q = q_ref[0]
    x = x_ref[0]
    pq = p_ref[0]

    qb = jnp.broadcast_to(q[:, None, :], (TA, K, D)).reshape(M, D)
    pqb = jnp.broadcast_to(pq[:, None, :], (TA, K, D)).reshape(M, D)

    h = jnp.maximum(pqb - p_l + db1_ref[...], 0.0)
    pos = (jnp.dot(h, dw2_ref[...], preferred_element_type=jnp.float32)
           + db2_ref[...])

    s = qb - k_l + pos
    h2 = jnp.maximum(
        jnp.dot(s, gw1_ref[...], preferred_element_type=jnp.float32)
        + gb1_ref[...], 0.0)
    attn = (jnp.dot(h2, gw2_ref[...], preferred_element_type=jnp.float32)
            + gb2_ref[...])
    value = v_l + pos

    outs = []
    for r in range(4):
        t = (jnp.dot(attn, awr_ref[r], preferred_element_type=jnp.float32)
             + ab_ref[...])
        t = t - jnp.max(t, axis=1, keepdims=True)
        e = jnp.exp(t)
        p = e / jnp.sum(e, axis=1, keepdims=True)
        z = (p * value).reshape(TA, K, D)
        outs.append(jnp.sum(z, axis=1) + x)
    res = jnp.stack(outs, axis=1).reshape(TA * 4, D)
    res_ref[0] = res

    c = jnp.maximum(
        jnp.dot(res, m1_ref[...], preferred_element_type=jnp.float32)
        + mb1_ref[...], 0.0)
    comp_ref[0] = (jnp.dot(c, m2_ref[...], preferred_element_type=jnp.float32)
                   + mb2_ref[...])


def _attn(gathered, q_pm, x_pm, p_pm, weights, bsz):
    full = lambda shape: pl.BlockSpec(shape, lambda b, t: tuple(0 for _ in shape))
    wspecs = [full(w.shape) for w in weights]
    return pl.pallas_call(
        _attn_body,
        grid=(bsz, N // TA),
        in_specs=[
            pl.BlockSpec((1, TA * K, TBL), lambda b, t: (b, t, 0)),
            pl.BlockSpec((1, TA, D), lambda b, t: (b, t, 0)),
            pl.BlockSpec((1, TA, D), lambda b, t: (b, t, 0)),
            pl.BlockSpec((1, TA, D), lambda b, t: (b, t, 0)),
        ] + wspecs,
        out_specs=[
            pl.BlockSpec((1, TA * 4, D), lambda b, t: (b, t, 0)),
            pl.BlockSpec((1, TA * 4, 8), lambda b, t: (b, t, 0)),
        ],
        out_shape=[
            jax.ShapeDtypeStruct((bsz, 4 * N, D), jnp.float32),
            jax.ShapeDtypeStruct((bsz, 4 * N, 8), jnp.float32),
        ],
        compiler_params=pltpu.CompilerParams(
            dimension_semantics=("parallel", "parallel")),
    )(gathered, q_pm, x_pm, p_pm, *weights)


def kernel(feature, xyz, bw1, bb1, bw2, bb2, bws, bbs, wq_w, wq_b, wk_w, wk_b,
           wv_w, wv_b, dw1, db1, dg1, dbe1, dw2, db2, gw1, gb1, gg1, gbe1,
           gw2, gb2, aw, ab, m4w1, m4b1, m4w2, m4b2):
    f32 = jnp.float32
    eps = 1e-5

    xyz_pm = jnp.transpose(xyz, (0, 2, 1))
    xyz_p16 = jnp.concatenate(
        [xyz_pm, jnp.zeros((B, N, 13), f32)], axis=2)
    xyz_p8 = xyz_p16[:, :, :8]
    xyz_cm = jnp.concatenate(
        [xyz, jnp.zeros((B, 5, N), f32)], axis=1)

    s1 = dg1 / jnp.sqrt(1.0 + eps)
    sg = gg1 / jnp.sqrt(1.0 + eps)
    dw1t = jnp.concatenate(
        [dw1.T, jnp.zeros((13, D), f32)], axis=0) * s1[None, :]
    db1f = db1 * s1 + dbe1
    gw1t = gw1.T * sg[None, :]
    gb1f = gb1 * sg + gbe1
    awr = jnp.transpose(aw, (2, 0, 1))
    m4w2t = jnp.concatenate(
        [m4w2.T, jnp.zeros((D, 5), f32)], axis=1)
    m4b2p = jnp.concatenate([m4b2, jnp.zeros((5,), f32)])

    knn_w = [bw1.T, bb1[None, :], bw2.T, bb2[None, :], bws.T, bbs[None, :],
             wq_w.T, wq_b[None, :], wk_w.T, wk_b[None, :], wv_w.T, wv_b[None, :],
             dw1t]
    attn_w = [db1f[None, :], dw2.T, db2[None, :], gw1t, gb1f[None, :],
              gw2.T, gb2[None, :], awr, ab[None, :], m4w1.T, m4b1[None, :],
              m4w2t, m4b2p[None, :]]

    SPLITS = 2
    H = B // SPLITS
    stage1 = []
    for h in range(SPLITS):
        s = slice(h * H, (h + 1) * H)
        stage1.append(_knn_mlp(
            xyz_p8[s], xyz_cm[s], feature[s], xyz_p16[s], knn_w, H))
    gath = []
    for h in range(SPLITS):
        idx, _, _, table, _ = stage1[h]
        g = _sc_gather(table.reshape(H * N, TBL),
                       idx.reshape(H * N * K // CHUNK, CHUNK), H)
        gath.append(g.reshape(H, N * K, TBL))
    outs = []
    for h in range(SPLITS):
        _, x_pm, q_pm, _, p_pm = stage1[h]
        outs.append(_attn(gath[h], q_pm, x_pm, p_pm, attn_w, H))

    res_pm = jnp.concatenate([o[0] for o in outs], axis=0)
    comp_pm = jnp.concatenate([o[1] for o in outs], axis=0)
    res = jnp.transpose(res_pm, (0, 2, 1))
    completion = jnp.transpose(comp_pm[:, :, :3], (0, 2, 1))
    return (completion, res)

# --- scband reference (transcript-rebuilt; emitter-appended) ---
"""Pipeline reference for scband-local-transformer-70540542869683 (READ-ONLY COPY).

The authoritative reference and input builder live on the scoring server;
editing this copy changes nothing except your own understanding.
"""

import jax, jax.numpy as jnp
import numpy as np

B, N, K, C_IN, D = 4, 2048, 16, 480, 64

PARAM_SHAPES = [("bw1", (64, 480)), ("bb1", (64,)), ("bw2", (64, 64)), ("bb2", (64,)), ("bws", (64, 480)), ("bbs", (64,)), ("wq_w", (64, 64)), ("wq_b", (64,)), ("wk_w", (64, 64)), ("wk_b", (64,)), ("wv_w", (64, 64)), ("wv_b", (64,)), ("dw1", (64, 3)), ("db1", (64,)), ("dg1", (64,)), ("dbe1", (64,)), ("dw2", (64, 64)), ("db2", (64,)), ("gw1", (256, 64)), ("gb1", (256,)), ("gg1", (256,)), ("gbe1", (256,)), ("gw2", (64, 256)), ("gb2", (64,)), ("aw", (64, 64, 4)), ("ab", (64,)), ("m4w1", (64, 64)), ("m4b1", (64,)), ("m4w2", (3, 64)), ("m4b2", (3,))]
PARAM_NAMES = [n for n, _ in PARAM_SHAPES]


def _conv1d(x, w, b):
    return jnp.einsum('oc,bcn->bon', w, x) + b[None, :, None]


def _conv2d(x, w, b):
    return jnp.einsum('oc,bcnk->bonk', w, x) + b[None, :, None, None]


def _bn2d(x, g, b, eps=1e-5):
    # eval-mode BatchNorm2d with running_mean=0, running_var=1
    return x * (g / jnp.sqrt(1.0 + eps))[None, :, None, None] + b[None, :, None, None]


def _mlp_res(x, w1, b1, w2, b2, ws, bs):
    shortcut = _conv1d(x, ws, bs)
    return _conv1d(jax.nn.relu(_conv1d(x, w1, b1)), w2, b2) + shortcut


def _knn_idx(xyz, k):
    # xyz: (B, 3, N); returns idx (B, k, N): k nearest ref indices per query point
    sq = jnp.sum(xyz ** 2, axis=1)  # (B, N)
    inner = jnp.einsum('bci,bcj->bij', xyz, xyz)
    d2 = sq[:, :, None] + sq[:, None, :] - 2.0 * inner  # (B, Nq, Nref)
    _, nbr = jax.lax.top_k(-d2, k)  # (B, N, k)
    return jnp.transpose(nbr, (0, 2, 1))


def _grouping(feats, idx):
    # feats: (B, C, N), idx: (B, K, N) -> (B, C, K, N)
    Bb, Cc, Nn = feats.shape
    Kk = idx.shape[1]
    idxb = jnp.broadcast_to(idx.reshape(Bb, 1, Kk * Nn), (Bb, Cc, Kk * Nn))
    return jnp.take_along_axis(feats, idxb, axis=2).reshape(Bb, Cc, Kk, Nn)


def _convT(x, w, b):
    # ConvTranspose2d kernel (4,1) stride (4,1); x (B,C,H,W), w (C,O,4)
    t = jnp.einsum('bchw,cor->borhw', x, w)
    Bb, Oo, Rr, Hh, Ww = t.shape
    t = jnp.transpose(t, (0, 1, 3, 2, 4)).reshape(Bb, Oo, Rr * Hh, Ww)
    return t + b[None, :, None, None]


def _forward(feature, xyz, p):
    (bw1, bb1, bw2, bb2, bws, bbs, wq_w, wq_b, wk_w, wk_b, wv_w, wv_b,
     dw1, db1, dg1, dbe1, dw2, db2, gw1, gb1, gg1, gbe1, gw2, gb2,
     aw, ab, m4w1, m4b1, m4w2, m4b2) = p
    idx = _knn_idx(xyz, K + 1)[:, 1:, :]  # drop self, (B, 16, N)
    x = _mlp_res(feature, bw1, bb1, bw2, bb2, bws, bbs)  # (B, 64, N)
    q = _conv1d(x, wq_w, wq_b)
    k_ = _conv1d(x, wk_w, wk_b)
    v = _conv1d(x, wv_w, wv_b)
    group_xyz = _grouping(xyz, idx)  # (B, 3, 16, N)
    rel_xyz = xyz[:, :, None, :] - group_xyz
    h = _conv2d(rel_xyz, dw1, db1)
    h = jax.nn.relu(_bn2d(h, dg1, dbe1))
    pos_enc = _conv2d(h, dw2, db2)  # (B, 64, 16, N)
    k_local = _grouping(k_, idx)
    v_local = _grouping(v, idx)
    qk_rel = q[:, :, None, :] - k_local
    h = _conv2d(qk_rel + pos_enc, gw1, gb1)
    h = jax.nn.relu(_bn2d(h, gg1, gbe1))
    attn = _conv2d(h, gw2, gb2)  # (B, 64, 16, N)
    attn1 = jnp.transpose(attn, (0, 1, 3, 2))  # (B, 64, N, 16)
    attn = _convT(attn1, aw, ab)  # (B, 64, 4N, 16)
    attn = jax.nn.softmax(attn, axis=1)
    value_rel = jnp.transpose(v_local + pos_enc, (0, 1, 3, 2))  # (B, 64, N, 16)
    value = jnp.repeat(value_rel, 4, axis=2)  # nearest upsample (4,1)
    res = jnp.einsum('bmnf,bmnf->bmn', attn, value)  # (B, 64, 4N)
    identity = jnp.repeat(x, 4, axis=2)  # nearest upsample x4
    res = res + identity
    completion = _conv1d(jax.nn.relu(_conv1d(res, m4w1, m4b1)), m4w2, m4b2)
    return (completion, res)


def setup_inputs(seed: int = 0):
    key = jax.random.key(seed)
    inp = {}
    inp["feature"] = jax.random.normal(jax.random.fold_in(key, 0), (B, C_IN, N), dtype=jnp.float32)
    inp["xyz"] = jax.random.normal(jax.random.fold_in(key, 1), (B, 3, N), dtype=jnp.float32)
    for i, (n, sh) in enumerate(PARAM_SHAPES):
        if n in ("dg1", "gg1"):
            inp[n] = jnp.ones(sh, dtype=jnp.float32)
        else:
            inp[n] = jax.random.normal(jax.random.fold_in(key, 10 + i), sh, dtype=jnp.float32) * 0.02
    return inp


def reference(feature, xyz, bw1, bb1, bw2, bb2, bws, bbs, wq_w, wq_b, wk_w, wk_b,
              wv_w, wv_b, dw1, db1, dg1, dbe1, dw2, db2, gw1, gb1, gg1, gbe1,
              gw2, gb2, aw, ab, m4w1, m4b1, m4w2, m4b2):
    params = {"bw1": bw1, "bb1": bb1, "bw2": bw2, "bb2": bb2, "bws": bws, "bbs": bbs,
              "wq_w": wq_w, "wq_b": wq_b, "wk_w": wk_w, "wk_b": wk_b, "wv_w": wv_w, "wv_b": wv_b,
              "dw1": dw1, "db1": db1, "dg1": dg1, "dbe1": dbe1, "dw2": dw2, "db2": db2,
              "gw1": gw1, "gb1": gb1, "gg1": gg1, "gbe1": gbe1, "gw2": gw2, "gb2": gb2,
              "aw": aw, "ab": ab, "m4w1": m4w1, "m4b1": m4b1, "m4w2": m4w2, "m4b2": m4b2}
    p = tuple(params[n] for n in PARAM_NAMES)
    return _forward(feature, xyz, p)

if __name__ == "__main__":
    import jax
    _d = setup_inputs()
    print(jax.jit(kernel)(*tuple(_d.values())))

</pallas_src>

<mosaic_0001>
#map = affine_map<(d0, d1) -> (0, 0)>
module attributes {stable_mosaic.version = 14 : i64} {
  func.func @gather_k(%arg0: i32, %arg1: i32, %arg2: memref<4096x256xf32, #tpu.memory_space<hbm>>, %arg3: memref<512x128xi32, #tpu.memory_space<hbm>>, %arg4: memref<65536x256xf32, #tpu.memory_space<hbm>>, %arg5: memref<16x128xi32, #tpu.memory_space<vmem>>, %arg6: memref<128x256xf32, #tpu.memory_space<vmem>>, %arg7: memref<128x256xf32, #tpu.memory_space<vmem>>, %arg8: memref<!tpu.dma_semaphore, #tpu.memory_space<semaphore_mem>>, %arg9: memref<!tpu.dma_semaphore, #tpu.memory_space<semaphore_mem>>, %arg10: memref<!tpu.dma_semaphore, #tpu.memory_space<semaphore_mem>>, %arg11: memref<!tpu.dma_semaphore, #tpu.memory_space<semaphore_mem>>) attributes {dimension_semantics = [#tpu.dimension_semantics<core_parallel>, #tpu.dimension_semantics<subcore_parallel>], iteration_bounds = array<i64: 2, 16>, scalar_prefetch = 0 : i64, scratch_operands = 7 : i64, tpu.core_type = #tpu.core_type<sc_vector_subcore>, window_params = [{transform_indices = #map}, {transform_indices = #map}, {transform_indices = #map}]} {
    %mul3A = arith.constant 2 : i32
    %mul3A_0 = arith.muli %arg1, %mul3A : i32
    %add3A = arith.addi %mul3A_0, %arg0 : i32
    %mul3A_1 = arith.constant 2048 : i32
    %mul3A_2 = arith.muli %add3A, %mul3A_1 : i32
    %mul3A_3 = arith.constant 16 : i32
    %mul3A_4 = arith.muli %add3A, %mul3A_3 : i32
    "tpu.region"() ({
      %run_scoped3A = tpu.sem_alloc : memref<!tpu.dma_semaphore, #tpu.memory_space<semaphore_mem>>
      %dma_start3A = arith.constant 0 : i32
      %dma_start3A_9 = tpu.memref_slice %arg3[%mul3A_4, %dma_start3A] : memref<512x128xi32, #tpu.memory_space<hbm>> -> memref<16x128xi32, #tpu.memory_space<hbm>>
      %dma_start3A_10 = arith.constant 0 : i32
      %dma_start3A_11 = tpu.memref_slice %arg3[%mul3A_4, %dma_start3A_10] : memref<512x128xi32, #tpu.memory_space<hbm>> -> memref<16x128xi32, #tpu.memory_space<hbm>>
      tpu.enqueue_dma source(%dma_start3A_11 : memref<16x128xi32, #tpu.memory_space<hbm>>) target(%arg5 : memref<16x128xi32, #tpu.memory_space<vmem>>) target_semaphore(%run_scoped3A : memref<!tpu.dma_semaphore, #tpu.memory_space<semaphore_mem>>)
      %dma_wait3A = arith.constant 0 : i32
      %dma_wait3A_12 = tpu.memref_slice %arg3[%mul3A_4, %dma_wait3A] : memref<512x128xi32, #tpu.memory_space<hbm>> -> memref<16x128xi32, #tpu.memory_space<hbm>>
      %dma_wait3A_13 = arith.constant 0 : i32
      %dma_wait3A_14 = tpu.memref_slice %arg3[%mul3A_4, %dma_wait3A_13] : memref<512x128xi32, #tpu.memory_space<hbm>> -> memref<16x128xi32, #tpu.memory_space<hbm>>
      tpu.wait_dma2 semaphore(%run_scoped3A : memref<!tpu.dma_semaphore, #tpu.memory_space<semaphore_mem>>) src(%dma_wait3A_14 : memref<16x128xi32, #tpu.memory_space<hbm>>) dst(%arg5 : memref<16x128xi32, #tpu.memory_space<vmem>>)
      tpu.yield
    }) : () -> ()
    %scan3A = arith.constant 0 : i32
    %scan3A_5 = arith.constant 8 : i32
    %scan3A_6 = arith.addi %scan3A, %scan3A_5 : i32
    %scan3A_7 = arith.constant 1 : i32
    scf.for %scan3A_9 = %scan3A to %scan3A_6 step %scan3A_7  : i32 {
      %mul3A_10 = arith.constant 2 : i32
      %mul3A_11 = arith.muli %mul3A_10, %scan3A_9 : i32
      %add3A_12 = arith.constant 0 : i32
      %add3A_13 = arith.addi %mul3A_11, %add3A_12 : i32
      %dma_start3A = arith.constant 0 : i32
      %dma_start3A_14 = tpu.memref_slice %arg5[%add3A_13, %dma_start3A] : memref<16x128xi32, #tpu.memory_space<vmem>> -> memref<1x128xi32, #tpu.memory_space<vmem>>
      %dma_start3A_15 = tpu.memref_squeeze %dma_start3A_14 : memref<1x128xi32, #tpu.memory_space<vmem>> -> memref<128xi32, #tpu.memory_space<vmem>>
      %dma_start3A_16 = arith.constant 0 : i32
      %dma_start3A_17 = arith.constant 0 : i32
      %dma_start3A_18 = tpu.memref_slice %arg2[%dma_start3A_16, %dma_start3A_17] : memref<4096x256xf32, #tpu.memory_space<hbm>> -> memref<4096x256xf32, #tpu.memory_space<hbm>>
      tpu.enqueue_indirect_dma source(%dma_start3A_18 : memref<4096x256xf32, #tpu.memory_space<hbm>>) target(%arg6 : memref<128x256xf32, #tpu.memory_space<vmem>>) offsets(%dma_start3A_15 : memref<128xi32, #tpu.memory_space<vmem>>) semaphore(%arg8 : memref<!tpu.dma_semaphore, #tpu.memory_space<semaphore_mem>>)
      %mul3A_19 = arith.constant 2 : i32
      %mul3A_20 = arith.muli %mul3A_19, %scan3A_9 : i32
      %add3A_21 = arith.constant 1 : i32
      %add3A_22 = arith.addi %mul3A_20, %add3A_21 : i32
      %dma_start3A_23 = arith.constant 0 : i32
      %dma_start3A_24 = tpu.memref_slice %arg5[%add3A_22, %dma_start3A_23] : memref<16x128xi32, #tpu.memory_space<vmem>> -> memref<1x128xi32, #tpu.memory_space<vmem>>
      %dma_start3A_25 = tpu.memref_squeeze %dma_start3A_24 : memref<1x128xi32, #tpu.memory_space<vmem>> -> memref<128xi32, #tpu.memory_space<vmem>>
      %dma_start3A_26 = arith.constant 0 : i32
      %dma_start3A_27 = arith.constant 0 : i32
      %dma_start3A_28 = tpu.memref_slice %arg2[%dma_start3A_26, %dma_start3A_27] : memref<4096x256xf32, #tpu.memory_space<hbm>> -> memref<4096x256xf32, #tpu.memory_space<hbm>>
      tpu.enqueue_indirect_dma source(%dma_start3A_28 : memref<4096x256xf32, #tpu.memory_space<hbm>>) target(%arg7 : memref<128x256xf32, #tpu.memory_space<vmem>>) offsets(%dma_start3A_25 : memref<128xi32, #tpu.memory_space<vmem>>) semaphore(%arg9 : memref<!tpu.dma_semaphore, #tpu.memory_space<semaphore_mem>>)
      %mul3A_29 = arith.constant 2 : i32
      %mul3A_30 = arith.muli %mul3A_29, %scan3A_9 : i32
      %add3A_31 = arith.constant 0 : i32
      %add3A_32 = arith.addi %mul3A_30, %add3A_31 : i32
      %dma_wait3A = arith.constant 0 : i32
      %dma_wait3A_33 = tpu.memref_slice %arg5[%add3A_13, %dma_wait3A] : memref<16x128xi32, #tpu.memory_space<vmem>> -> memref<1x128xi32, #tpu.memory_space<vmem>>
      %dma_wait3A_34 = tpu.memref_squeeze %dma_wait3A_33 : memref<1x128xi32, #tpu.memory_space<vmem>> -> memref<128xi32, #tpu.memory_space<vmem>>
      %dma_wait3A_35 = arith.constant 0 : i32
      %dma_wait3A_36 = arith.constant 0 : i32
      %dma_wait3A_37 = tpu.memref_slice %arg2[%dma_wait3A_35, %dma_wait3A_36] : memref<4096x256xf32, #tpu.memory_space<hbm>> -> memref<4096x256xf32, #tpu.memory_space<hbm>>
      tpu.wait_indirect_dma semaphore(%arg8 : memref<!tpu.dma_semaphore, #tpu.memory_space<semaphore_mem>>) src(%dma_wait3A_37 : memref<4096x256xf32, #tpu.memory_space<hbm>>) dst(%arg6 : memref<128x256xf32, #tpu.memory_space<vmem>>)
      %mul3A_38 = arith.constant 128 : i32
      %mul3A_39 = arith.muli %add3A_32, %mul3A_38 : i32
      %add3A_40 = arith.addi %mul3A_2, %mul3A_39 : i32
      %dma_start3A_41 = arith.constant 0 : i32
      %dma_start3A_42 = tpu.memref_slice %arg4[%add3A_40, %dma_start3A_41] : memref<65536x256xf32, #tpu.memory_space<hbm>> -> memref<128x256xf32, #tpu.memory_space<hbm>>
      %dma_start3A_43 = arith.constant 0 : i32
      %dma_start3A_44 = tpu.memref_slice %arg4[%add3A_40, %dma_start3A_43] : memref<65536x256xf32, #tpu.memory_space<hbm>> -> memref<128x256xf32, #tpu.memory_space<hbm>>
      tpu.enqueue_dma source(%arg6 : memref<128x256xf32, #tpu.memory_space<vmem>>) target(%dma_start3A_44 : memref<128x256xf32, #tpu.memory_space<hbm>>) target_semaphore(%arg10 : memref<!tpu.dma_semaphore, #tpu.memory_space<semaphore_mem>>)
      %mul3A_45 = arith.constant 2 : i32
      %mul3A_46 = arith.muli %mul3A_45, %scan3A_9 : i32
      %add3A_47 = arith.constant 1 : i32
      %add3A_48 = arith.addi %mul3A_46, %add3A_47 : i32
      %dma_wait3A_49 = arith.constant 0 : i32
      %dma_wait3A_50 = tpu.memref_slice %arg5[%add3A_22, %dma_wait3A_49] : memref<16x128xi32, #tpu.memory_space<vmem>> -> memref<1x128xi32, #tpu.memory_space<vmem>>
      %dma_wait3A_51 = tpu.memref_squeeze %dma_wait3A_50 : memref<1x128xi32, #tpu.memory_space<vmem>> -> memref<128xi32, #tpu.memory_space<vmem>>
      %dma_wait3A_52 = arith.constant 0 : i32
      %dma_wait3A_53 = arith.constant 0 : i32
      %dma_wait3A_54 = tpu.memref_slice %arg2[%dma_wait3A_52, %dma_wait3A_53] : memref<4096x256xf32, #tpu.memory_space<hbm>> -> memref<4096x256xf32, #tpu.memory_space<hbm>>
      tpu.wait_indirect_dma semaphore(%arg9 : memref<!tpu.dma_semaphore, #tpu.memory_space<semaphore_mem>>) src(%dma_wait3A_54 : memref<4096x256xf32, #tpu.memory_space<hbm>>) dst(%arg7 : memref<128x256xf32, #tpu.memory_space<vmem>>)
      %mul3A_55 = arith.constant 128 : i32
      %mul3A_56 = arith.muli %add3A_48, %mul3A_55 : i32
      %add3A_57 = arith.addi %mul3A_2, %mul3A_56 : i32
      %dma_start3A_58 = arith.constant 0 : i32
      %dma_start3A_59 = tpu.memref_slice %arg4[%add3A_57, %dma_start3A_58] : memref<65536x256xf32, #tpu.memory_space<hbm>> -> memref<128x256xf32, #tpu.memory_space<hbm>>
      %dma_start3A_60 = arith.constant 0 : i32
      %dma_start3A_61 = tpu.memref_slice %arg4[%add3A_57, %dma_start3A_60] : memref<65536x256xf32, #tpu.memory_space<hbm>> -> memref<128x256xf32, #tpu.memory_space<hbm>>
      tpu.enqueue_dma source(%arg7 : memref<128x256xf32, #tpu.memory_space<vmem>>) target(%dma_start3A_61 : memref<128x256xf32, #tpu.memory_space<hbm>>) target_semaphore(%arg11 : memref<!tpu.dma_semaphore, #tpu.memory_space<semaphore_mem>>)
      %dma_wait3A_62 = arith.constant 0 : i32
      %dma_wait3A_63 = tpu.memref_slice %arg4[%add3A_40, %dma_wait3A_62] : memref<65536x256xf32, #tpu.memory_space<hbm>> -> memref<128x256xf32, #tpu.memory_space<hbm>>
      %dma_wait3A_64 = arith.constant 0 : i32
      %dma_wait3A_65 = tpu.memref_slice %arg4[%add3A_40, %dma_wait3A_64] : memref<65536x256xf32, #tpu.memory_space<hbm>> -> memref<128x256xf32, #tpu.memory_space<hbm>>
      tpu.wait_dma2 semaphore(%arg10 : memref<!tpu.dma_semaphore, #tpu.memory_space<semaphore_mem>>) src(%arg6 : memref<128x256xf32, #tpu.memory_space<vmem>>) dst(%dma_wait3A_65 : memref<128x256xf32, #tpu.memory_space<hbm>>)
      %dma_wait3A_66 = arith.constant 0 : i32
      %dma_wait3A_67 = tpu.memref_slice %arg4[%add3A_57, %dma_wait3A_66] : memref<65536x256xf32, #tpu.memory_space<hbm>> -> memref<128x256xf32, #tpu.memory_space<hbm>>
      %dma_wait3A_68 = arith.constant 0 : i32
      %dma_wait3A_69 = tpu.memref_slice %arg4[%add3A_57, %dma_wait3A_68] : memref<65536x256xf32, #tpu.memory_space<hbm>> -> memref<128x256xf32, #tpu.memory_space<hbm>>
      tpu.wait_dma2 semaphore(%arg11 : memref<!tpu.dma_semaphore, #tpu.memory_space<semaphore_mem>>) src(%arg7 : memref<128x256xf32, #tpu.memory_space<vmem>>) dst(%dma_wait3A_69 : memref<128x256xf32, #tpu.memory_space<hbm>>)
    }
    %scan3A_8 = arith.constant 8 : i32
    return
  }
}

#map = affine_map<(d0, d1) -> (0, 0)>
module attributes {stable_mosaic.version = 14 : i64} {
  func.func @gather_k(%arg0: i32, %arg1: i32, %arg2: memref<4096x256xf32, #tpu.memory_space<hbm>>, %arg3: memref<512x128xi32, #tpu.memory_space<hbm>>, %arg4: memref<65536x256xf32, #tpu.memory_space<hbm>>, %arg5: memref<16x128xi32, #tpu.memory_space<vmem>>, %arg6: memref<128x256xf32, #tpu.memory_space<vmem>>, %arg7: memref<128x256xf32, #tpu.memory_space<vmem>>, %arg8: memref<!tpu.dma_semaphore, #tpu.memory_space<semaphore_mem>>, %arg9: memref<!tpu.dma_semaphore, #tpu.memory_space<semaphore_mem>>, %arg10: memref<!tpu.dma_semaphore, #tpu.memory_space<semaphore_mem>>, %arg11: memref<!tpu.dma_semaphore, #tpu.memory_space<semaphore_mem>>) attributes {dimension_semantics = [#tpu.dimension_semantics<core_parallel>, #tpu.dimension_semantics<subcore_parallel>], iteration_bounds = array<i64: 2, 16>, scalar_prefetch = 0 : i64, scratch_operands = 7 : i64, tpu.core_type = #tpu.core_type<sc_vector_subcore>, window_params = [{transform_indices = #map}, {transform_indices = #map}, {transform_indices = #map}]} {
    %mul3A = arith.constant 2 : i32
    %mul3A_0 = arith.muli %arg1, %mul3A : i32
    %add3A = arith.addi %mul3A_0, %arg0 : i32
    %mul3A_1 = arith.constant 2048 : i32
    %mul3A_2 = arith.muli %add3A, %mul3A_1 : i32
    %mul3A_3 = arith.constant 16 : i32
    %mul3A_4 = arith.muli %add3A, %mul3A_3 : i32
    "tpu.region"() ({
      %run_scoped3A = tpu.sem_alloc : memref<!tpu.dma_semaphore, #tpu.memory_space<semaphore_mem>>
      %dma_start3A = arith.constant 0 : i32
      %dma_start3A_9 = tpu.memref_slice %arg3[%mul3A_4, %dma_start3A] : memref<512x128xi32, #tpu.memory_space<hbm>> -> memref<16x128xi32, #tpu.memory_space<hbm>>
      %dma_start3A_10 = arith.constant 0 : i32
      %dma_start3A_11 = tpu.memref_slice %arg3[%mul3A_4, %dma_start3A_10] : memref<512x128xi32, #tpu.memory_space<hbm>> -> memref<16x128xi32, #tpu.memory_space<hbm>>
      tpu.enqueue_dma source(%dma_start3A_11 : memref<16x128xi32, #tpu.memory_space<hbm>>) target(%arg5 : memref<16x128xi32, #tpu.memory_space<vmem>>) target_semaphore(%run_scoped3A : memref<!tpu.dma_semaphore, #tpu.memory_space<semaphore_mem>>)
      %dma_wait3A = arith.constant 0 : i32
      %dma_wait3A_12 = tpu.memref_slice %arg3[%mul3A_4, %dma_wait3A] : memref<512x128xi32, #tpu.memory_space<hbm>> -> memref<16x128xi32, #tpu.memory_space<hbm>>
      %dma_wait3A_13 = arith.constant 0 : i32
      %dma_wait3A_14 = tpu.memref_slice %arg3[%mul3A_4, %dma_wait3A_13] : memref<512x128xi32, #tpu.memory_space<hbm>> -> memref<16x128xi32, #tpu.memory_space<hbm>>
      tpu.wait_dma2 semaphore(%run_scoped3A : memref<!tpu.dma_semaphore, #tpu.memory_space<semaphore_mem>>) src(%dma_wait3A_14 : memref<16x128xi32, #tpu.memory_space<hbm>>) dst(%arg5 : memref<16x128xi32, #tpu.memory_space<vmem>>)
      tpu.yield
    }) : () -> ()
    %scan3A = arith.constant 0 : i32
    %scan3A_5 = arith.constant 8 : i32
    %scan3A_6 = arith.addi %scan3A, %scan3A_5 : i32
    %scan3A_7 = arith.constant 1 : i32
    scf.for %scan3A_9 = %scan3A to %scan3A_6 step %scan3A_7  : i32 {
      %mul3A_10 = arith.constant 2 : i32
      %mul3A_11 = arith.muli %mul3A_10, %scan3A_9 : i32
      %add3A_12 = arith.constant 0 : i32
      %add3A_13 = arith.addi %mul3A_11, %add3A_12 : i32
      %dma_start3A = arith.constant 0 : i32
      %dma_start3A_14 = tpu.memref_slice %arg5[%add3A_13, %dma_start3A] : memref<16x128xi32, #tpu.memory_space<vmem>> -> memref<1x128xi32, #tpu.memory_space<vmem>>
      %dma_start3A_15 = tpu.memref_squeeze %dma_start3A_14 : memref<1x128xi32, #tpu.memory_space<vmem>> -> memref<128xi32, #tpu.memory_space<vmem>>
      %dma_start3A_16 = arith.constant 0 : i32
      %dma_start3A_17 = arith.constant 0 : i32
      %dma_start3A_18 = tpu.memref_slice %arg2[%dma_start3A_16, %dma_start3A_17] : memref<4096x256xf32, #tpu.memory_space<hbm>> -> memref<4096x256xf32, #tpu.memory_space<hbm>>
      tpu.enqueue_indirect_dma source(%dma_start3A_18 : memref<4096x256xf32, #tpu.memory_space<hbm>>) target(%arg6 : memref<128x256xf32, #tpu.memory_space<vmem>>) offsets(%dma_start3A_15 : memref<128xi32, #tpu.memory_space<vmem>>) semaphore(%arg8 : memref<!tpu.dma_semaphore, #tpu.memory_space<semaphore_mem>>)
      %mul3A_19 = arith.constant 2 : i32
      %mul3A_20 = arith.muli %mul3A_19, %scan3A_9 : i32
      %add3A_21 = arith.constant 1 : i32
      %add3A_22 = arith.addi %mul3A_20, %add3A_21 : i32
      %dma_start3A_23 = arith.constant 0 : i32
      %dma_start3A_24 = tpu.memref_slice %arg5[%add3A_22, %dma_start3A_23] : memref<16x128xi32, #tpu.memory_space<vmem>> -> memref<1x128xi32, #tpu.memory_space<vmem>>
      %dma_start3A_25 = tpu.memref_squeeze %dma_start3A_24 : memref<1x128xi32, #tpu.memory_space<vmem>> -> memref<128xi32, #tpu.memory_space<vmem>>
      %dma_start3A_26 = arith.constant 0 : i32
      %dma_start3A_27 = arith.constant 0 : i32
      %dma_start3A_28 = tpu.memref_slice %arg2[%dma_start3A_26, %dma_start3A_27] : memref<4096x256xf32, #tpu.memory_space<hbm>> -> memref<4096x256xf32, #tpu.memory_space<hbm>>
      tpu.enqueue_indirect_dma source(%dma_start3A_28 : memref<4096x256xf32, #tpu.memory_space<hbm>>) target(%arg7 : memref<128x256xf32, #tpu.memory_space<vmem>>) offsets(%dma_start3A_25 : memref<128xi32, #tpu.memory_space<vmem>>) semaphore(%arg9 : memref<!tpu.dma_semaphore, #tpu.memory_space<semaphore_mem>>)
      %mul3A_29 = arith.constant 2 : i32
      %mul3A_30 = arith.muli %mul3A_29, %scan3A_9 : i32
      %add3A_31 = arith.constant 0 : i32
      %add3A_32 = arith.addi %mul3A_30, %add3A_31 : i32
      %dma_wait3A = arith.constant 0 : i32
      %dma_wait3A_33 = tpu.memref_slice %arg5[%add3A_13, %dma_wait3A] : memref<16x128xi32, #tpu.memory_space<vmem>> -> memref<1x128xi32, #tpu.memory_space<vmem>>
      %dma_wait3A_34 = tpu.memref_squeeze %dma_wait3A_33 : memref<1x128xi32, #tpu.memory_space<vmem>> -> memref<128xi32, #tpu.memory_space<vmem>>
      %dma_wait3A_35 = arith.constant 0 : i32
      %dma_wait3A_36 = arith.constant 0 : i32
      %dma_wait3A_37 = tpu.memref_slice %arg2[%dma_wait3A_35, %dma_wait3A_36] : memref<4096x256xf32, #tpu.memory_space<hbm>> -> memref<4096x256xf32, #tpu.memory_space<hbm>>
      tpu.wait_indirect_dma semaphore(%arg8 : memref<!tpu.dma_semaphore, #tpu.memory_space<semaphore_mem>>) src(%dma_wait3A_37 : memref<4096x256xf32, #tpu.memory_space<hbm>>) dst(%arg6 : memref<128x256xf32, #tpu.memory_space<vmem>>)
      %mul3A_38 = arith.constant 128 : i32
      %mul3A_39 = arith.muli %add3A_32, %mul3A_38 : i32
      %add3A_40 = arith.addi %mul3A_2, %mul3A_39 : i32
      %dma_start3A_41 = arith.constant 0 : i32
      %dma_start3A_42 = tpu.memref_slice %arg4[%add3A_40, %dma_start3A_41] : memref<65536x256xf32, #tpu.memory_space<hbm>> -> memref<128x256xf32, #tpu.memory_space<hbm>>
      %dma_start3A_43 = arith.constant 0 : i32
      %dma_start3A_44 = tpu.memref_slice %arg4[%add3A_40, %dma_start3A_43] : memref<65536x256xf32, #tpu.memory_space<hbm>> -> memref<128x256xf32, #tpu.memory_space<hbm>>
      tpu.enqueue_dma source(%arg6 : memref<128x256xf32, #tpu.memory_space<vmem>>) target(%dma_start3A_44 : memref<128x256xf32, #tpu.memory_space<hbm>>) target_semaphore(%arg10 : memref<!tpu.dma_semaphore, #tpu.memory_space<semaphore_mem>>)
      %mul3A_45 = arith.constant 2 : i32
      %mul3A_46 = arith.muli %mul3A_45, %scan3A_9 : i32
      %add3A_47 = arith.constant 1 : i32
      %add3A_48 = arith.addi %mul3A_46, %add3A_47 : i32
      %dma_wait3A_49 = arith.constant 0 : i32
      %dma_wait3A_50 = tpu.memref_slice %arg5[%add3A_22, %dma_wait3A_49] : memref<16x128xi32, #tpu.memory_space<vmem>> -> memref<1x128xi32, #tpu.memory_space<vmem>>
      %dma_wait3A_51 = tpu.memref_squeeze %dma_wait3A_50 : memref<1x128xi32, #tpu.memory_space<vmem>> -> memref<128xi32, #tpu.memory_space<vmem>>
      %dma_wait3A_52 = arith.constant 0 : i32
      %dma_wait3A_53 = arith.constant 0 : i32
      %dma_wait3A_54 = tpu.memref_slice %arg2[%dma_wait3A_52, %dma_wait3A_53] : memref<4096x256xf32, #tpu.memory_space<hbm>> -> memref<4096x256xf32, #tpu.memory_space<hbm>>
      tpu.wait_indirect_dma semaphore(%arg9 : memref<!tpu.dma_semaphore, #tpu.memory_space<semaphore_mem>>) src(%dma_wait3A_54 : memref<4096x256xf32, #tpu.memory_space<hbm>>) dst(%arg7 : memref<128x256xf32, #tpu.memory_space<vmem>>)
      %mul3A_55 = arith.constant 128 : i32
      %mul3A_56 = arith.muli %add3A_48, %mul3A_55 : i32
      %add3A_57 = arith.addi %mul3A_2, %mul3A_56 : i32
      %dma_start3A_58 = arith.constant 0 : i32
      %dma_start3A_59 = tpu.memref_slice %arg4[%add3A_57, %dma_start3A_58] : memref<65536x256xf32, #tpu.memory_space<hbm>> -> memref<128x256xf32, #tpu.memory_space<hbm>>
      %dma_start3A_60 = arith.constant 0 : i32
      %dma_start3A_61 = tpu.memref_slice %arg4[%add3A_57, %dma_start3A_60] : memref<65536x256xf32, #tpu.memory_space<hbm>> -> memref<128x256xf32, #tpu.memory_space<hbm>>
      tpu.enqueue_dma source(%arg7 : memref<128x256xf32, #tpu.memory_space<vmem>>) target(%dma_start3A_61 : memref<128x256xf32, #tpu.memory_space<hbm>>) target_semaphore(%arg11 : memref<!tpu.dma_semaphore, #tpu.memory_space<semaphore_mem>>)
      %dma_wait3A_62 = arith.constant 0 : i32
      %dma_wait3A_63 = tpu.memref_slice %arg4[%add3A_40, %dma_wait3A_62] : memref<65536x256xf32, #tpu.memory_space<hbm>> -> memref<128x256xf32, #tpu.memory_space<hbm>>
      %dma_wait3A_64 = arith.constant 0 : i32
      %dma_wait3A_65 = tpu.memref_slice %arg4[%add3A_40, %dma_wait3A_64] : memref<65536x256xf32, #tpu.memory_space<hbm>> -> memref<128x256xf32, #tpu.memory_space<hbm>>
      tpu.wait_dma2 semaphore(%arg10 : memref<!tpu.dma_semaphore, #tpu.memory_space<semaphore_mem>>) src(%arg6 : memref<128x256xf32, #tpu.memory_space<vmem>>) dst(%dma_wait3A_65 : memref<128x256xf32, #tpu.memory_space<hbm>>)
      %dma_wait3A_66 = arith.constant 0 : i32
      %dma_wait3A_67 = tpu.memref_slice %arg4[%add3A_57, %dma_wait3A_66] : memref<65536x256xf32, #tpu.memory_space<hbm>> -> memref<128x256xf32, #tpu.memory_space<hbm>>
      %dma_wait3A_68 = arith.constant 0 : i32
      %dma_wait3A_69 = tpu.memref_slice %arg4[%add3A_57, %dma_wait3A_68] : memref<65536x256xf32, #tpu.memory_space<hbm>> -> memref<128x256xf32, #tpu.memory_space<hbm>>
      tpu.wait_dma2 semaphore(%arg11 : memref<!tpu.dma_semaphore, #tpu.memory_space<semaphore_mem>>) src(%arg7 : memref<128x256xf32, #tpu.memory_space<vmem>>) dst(%dma_wait3A_69 : memref<128x256xf32, #tpu.memory_space<hbm>>)
    }
    %scan3A_8 = arith.constant 8 : i32
    return
  }
}

module attributes {stable_mosaic.version = 14 : i64} {
  func.func @_knn_body(%arg0: i32, %arg1: i32, %arg2: memref<1x512x8xf32, #tpu.memory_space<vmem>>, %arg3: memref<1x8x2048xf32, #tpu.memory_space<vmem>>, %arg4: memref<1x480x512xf32, #tpu.memory_space<vmem>>, %arg5: memref<1x512x16xf32, #tpu.memory_space<vmem>>, %arg6: memref<480x64xf32, #tpu.memory_space<vmem>>, %arg7: memref<1x64xf32, #tpu.memory_space<vmem>>, %arg8: memref<64x64xf32, #tpu.memory_space<vmem>>, %arg9: memref<1x64xf32, #tpu.memory_space<vmem>>, %arg10: memref<480x64xf32, #tpu.memory_space<vmem>>, %arg11: memref<1x64xf32, #tpu.memory_space<vmem>>, %arg12: memref<64x64xf32, #tpu.memory_space<vmem>>, %arg13: memref<1x64xf32, #tpu.memory_space<vmem>>, %arg14: memref<64x64xf32, #tpu.memory_space<vmem>>, %arg15: memref<1x64xf32, #tpu.memory_space<vmem>>, %arg16: memref<64x64xf32, #tpu.memory_space<vmem>>, %arg17: memref<1x64xf32, #tpu.memory_space<vmem>>, %arg18: memref<16x64xf32, #tpu.memory_space<vmem>>, %arg19: memref<1x512x16xi32, #tpu.memory_space<vmem>>, %arg20: memref<1x512x64xf32, #tpu.memory_space<vmem>>, %arg21: memref<1x512x64xf32, #tpu.memory_space<vmem>>, %arg22: memref<1x512x256xf32, #tpu.memory_space<vmem>>, %arg23: memref<1x512x64xf32, #tpu.memory_space<vmem>>) attributes {dimension_semantics = [#tpu.dimension_semantics<parallel>, #tpu.dimension_semantics<parallel>], iteration_bounds = array<i64: 2, 4>, scalar_prefetch = 0 : i64, scratch_operands = 0 : i64, tpu.core_type = #tpu.core_type<tc>, window_params = [{transform_indices = @transform_0, window_bounds = array<i64: 1, 512, 8>}, {transform_indices = @transform_1, window_bounds = array<i64: 1, 8, 2048>}, {transform_indices = @transform_2, window_bounds = array<i64: 1, 480, 512>}, {transform_indices = @transform_3, window_bounds = array<i64: 1, 512, 16>}, {pipeline_mode = #tpu.pipeline_mode<synchronous>, transform_indices = @transform_4, window_bounds = array<i64: 480, 64>}, {pipeline_mode = #tpu.pipeline_mode<synchronous>, transform_indices = @transform_5, window_bounds = array<i64: 1, 64>}, {pipeline_mode = #tpu.pipeline_mode<synchronous>, transform_indices = @transform_6, window_bounds = array<i64: 64, 64>}, {pipeline_mode = #tpu.pipeline_mode<synchronous>, transform_indices = @transform_7, window_bounds = array<i64: 1, 64>}, {pipeline_mode = #tpu.pipeline_mode<synchronous>, transform_indices = @transform_8, window_bounds = array<i64: 480, 64>}, {pipeline_mode = #tpu.pipeline_mode<synchronous>, transform_indices = @transform_9, window_bounds = array<i64: 1, 64>}, {pipeline_mode = #tpu.pipeline_mode<synchronous>, transform_indices = @transform_10, window_bounds = array<i64: 64, 64>}, {pipeline_mode = #tpu.pipeline_mode<synchronous>, transform_indices = @transform_11, window_bounds = array<i64: 1, 64>}, {pipeline_mode = #tpu.pipeline_mode<synchronous>, transform_indices = @transform_12, window_bounds = array<i64: 64, 64>}, {pipeline_mode = #tpu.pipeline_mode<synchronous>, transform_indices = @transform_13, window_bounds = array<i64: 1, 64>}, {pipeline_mode = #tpu.pipeline_mode<synchronous>, transform_indices = @transform_14, window_bounds = array<i64: 64, 64>}, {pipeline_mode = #tpu.pipeline_mode<synchronous>, transform_indices = @transform_15, window_bounds = array<i64: 1, 64>}, {pipeline_mode = #tpu.pipeline_mode<synchronous>, transform_indices = @transform_16, window_bounds = array<i64: 16, 64>}, {transform_indices = @transform_17, window_bounds = array<i64: 1, 512, 16>}, {transform_indices = @transform_18, window_bounds = array<i64: 1, 512, 64>}, {transform_indices = @transform_19, window_bounds = array<i64: 1, 512, 64>}, {transform_indices = @transform_20, window_bounds = array<i64: 1, 512, 256>}, {transform_indices = @transform_21, window_bounds = array<i64: 1, 512, 64>}]} {
    %get3A = arith.constant 0 : index
    %get3A_0 = arith.constant 0 : index
    %get3A_1 = arith.constant 0 : index
    %get3A_2 = vector.load %arg4[%get3A, %get3A_0, %get3A_1] : memref<1x480x512xf32, #tpu.memory_space<vmem>>, vector<1x480x512xf32>
    %get3A_3 = vector.shape_cast %get3A_2 : vector<1x480x512xf32> to vector<480x512xf32>
    %get3A_4 = arith.constant 0 : index
    %get3A_5 = arith.constant 0 : index
    %get3A_6 = vector.load %arg6[%get3A_4, %get3A_5] : memref<480x64xf32, #tpu.memory_space<vmem>>, vector<480x64xf32>
    %dot_general3A = arith.constant dense<0.000000e+00> : vector<512x64xf32>
    %dot_general3A_7 = tpu.matmul %get3A_3, %get3A_6, %dot_general3A {dimension_numbers = #tpu.dot_dimension_numbers<[0], [0], [1], [1], [0, 1, 1, 1], [], []>, transpose_lhs_hint = false} : vector<480x512xf32>, vector<480x64xf32>, vector<512x64xf32> -> vector<512x64xf32>
    %get3A_8 = arith.constant 0 : index
    %get3A_9 = arith.constant 0 : index
    %get3A_10 = vector.load %arg7[%get3A_8, %get3A_9] : memref<1x64xf32, #tpu.memory_space<vmem>>, vector<1x64xf32>
    %add3A = vector.broadcast %get3A_10 : vector<1x64xf32> to vector<512x64xf32>
    %add3A_11 = arith.addf %dot_general3A_7, %add3A : vector<512x64xf32>
    %max3A = arith.constant 0.000000e+00 : f32
    %max3A_12 = vector.broadcast %max3A : f32 to vector<512x64xf32>
    %max3A_13 = arith.maximumf %add3A_11, %max3A_12 : vector<512x64xf32>
    %get3A_14 = arith.constant 0 : index
    %get3A_15 = arith.constant 0 : index
    %get3A_16 = vector.load %arg8[%get3A_14, %get3A_15] : memref<64x64xf32, #tpu.memory_space<vmem>>, vector<64x64xf32>
    %dot_general3A_17 = arith.constant dense<0.000000e+00> : vector<512x64xf32>
    %dot_general3A_18 = tpu.matmul %max3A_13, %get3A_16, %dot_general3A_17 {dimension_numbers = #tpu.dot_dimension_numbers<[1], [0], [0], [1], [0, 0, 1, 1], [], []>, transpose_lhs_hint = false} : vector<512x64xf32>, vector<64x64xf32>, vector<512x64xf32> -> vector<512x64xf32>
    %get3A_19 = arith.constant 0 : index
    %get3A_20 = arith.constant 0 : index
    %get3A_21 = vector.load %arg9[%get3A_19, %get3A_20] : memref<1x64xf32, #tpu.memory_space<vmem>>, vector<1x64xf32>
    %add3A_22 = vector.broadcast %get3A_21 : vector<1x64xf32> to vector<512x64xf32>
    %add3A_23 = arith.addf %dot_general3A_18, %add3A_22 : vector<512x64xf32>
    %get3A_24 = arith.constant 0 : index
    %get3A_25 = arith.constant 0 : index
    %get3A_26 = vector.load %arg10[%get3A_24, %get3A_25] : memref<480x64xf32, #tpu.memory_space<vmem>>, vector<480x64xf32>
    %dot_general3A_27 = arith.constant dense<0.000000e+00> : vector<512x64xf32>
    %dot_general3A_28 = tpu.matmul %get3A_3, %get3A_26, %dot_general3A_27 {dimension_numbers = #tpu.dot_dimension_numbers<[0], [0], [1], [1], [0, 1, 1, 1], [], []>, transpose_lhs_hint = false} : vector<480x512xf32>, vector<480x64xf32>, vector<512x64xf32> -> vector<512x64xf32>
    %add3A_29 = arith.addf %add3A_23, %dot_general3A_28 : vector<512x64xf32>
    %get3A_30 = arith.constant 0 : index
    %get3A_31 = arith.constant 0 : index
    %get3A_32 = vector.load %arg11[%get3A_30, %get3A_31] : memref<1x64xf32, #tpu.memory_space<vmem>>, vector<1x64xf32>
    %add3A_33 = vector.broadcast %get3A_32 : vector<1x64xf32> to vector<512x64xf32>
    %add3A_34 = arith.addf %add3A_29, %add3A_33 : vector<512x64xf32>
    %get3A_35 = arith.constant 0 : index
    %get3A_36 = arith.constant 0 : index
    %get3A_37 = vector.load %arg12[%get3A_35, %get3A_36] : memref<64x64xf32, #tpu.memory_space<vmem>>, vector<64x64xf32>
    %dot_general3A_38 = arith.constant dense<0.000000e+00> : vector<512x64xf32>
    %dot_general3A_39 = tpu.matmul %add3A_34, %get3A_37, %dot_general3A_38 {dimension_numbers = #tpu.dot_dimension_numbers<[1], [0], [0], [1], [0, 0, 1, 1], [], []>, transpose_lhs_hint = false} : vector<512x64xf32>, vector<64x64xf32>, vector<512x64xf32> -> vector<512x64xf32>
    %get3A_40 = arith.constant 0 : index
    %get3A_41 = arith.constant 0 : index
    %get3A_42 = vector.load %arg13[%get3A_40, %get3A_41] : memref<1x64xf32, #tpu.memory_space<vmem>>, vector<1x64xf32>
    %add3A_43 = vector.broadcast %get3A_42 : vector<1x64xf32> to vector<512x64xf32>
    %add3A_44 = arith.addf %dot_general3A_39, %add3A_43 : vector<512x64xf32>
    %get3A_45 = arith.constant 0 : index
    %get3A_46 = arith.constant 0 : index
    %get3A_47 = vector.load %arg14[%get3A_45, %get3A_46] : memref<64x64xf32, #tpu.memory_space<vmem>>, vector<64x64xf32>
    %dot_general3A_48 = arith.constant dense<0.000000e+00> : vector<512x64xf32>
    %dot_general3A_49 = tpu.matmul %add3A_34, %get3A_47, %dot_general3A_48 {dimension_numbers = #tpu.dot_dimension_numbers<[1], [0], [0], [1], [0, 0, 1, 1], [], []>, transpose_lhs_hint = false} : vector<512x64xf32>, vector<64x64xf32>, vector<512x64xf32> -> vector<512x64xf32>
    %get3A_50 = arith.constant 0 : index
    %get3A_51 = arith.constant 0 : index
    %get3A_52 = vector.load %arg15[%get3A_50, %get3A_51] : memref<1x64xf32, #tpu.memory_space<vmem>>, vector<1x64xf32>
    %add3A_53 = vector.broadcast %get3A_52 : vector<1x64xf32> to vector<512x64xf32>
    %add3A_54 = arith.addf %dot_general3A_49, %add3A_53 : vector<512x64xf32>
    %get3A_55 = arith.constant 0 : index
    %get3A_56 = arith.constant 0 : index
    %get3A_57 = vector.load %arg16[%get3A_55, %get3A_56] : memref<64x64xf32, #tpu.memory_space<vmem>>, vector<64x64xf32>
    %dot_general3A_58 = arith.constant dense<0.000000e+00> : vector<512x64xf32>
    %dot_general3A_59 = tpu.matmul %add3A_34, %get3A_57, %dot_general3A_58 {dimension_numbers = #tpu.dot_dimension_numbers<[1], [0], [0], [1], [0, 0, 1, 1], [], []>, transpose_lhs_hint = false} : vector<512x64xf32>, vector<64x64xf32>, vector<512x64xf32> -> vector<512x64xf32>
    %get3A_60 = arith.constant 0 : index
    %get3A_61 = arith.constant 0 : index
    %get3A_62 = vector.load %arg17[%get3A_60, %get3A_61] : memref<1x64xf32, #tpu.memory_space<vmem>>, vector<1x64xf32>
    %add3A_63 = vector.broadcast %get3A_62 : vector<1x64xf32> to vector<512x64xf32>
    %add3A_64 = arith.addf %dot_general3A_59, %add3A_63 : vector<512x64xf32>
    %get3A_65 = arith.constant 0 : index
    %get3A_66 = arith.constant 0 : index
    %get3A_67 = arith.constant 0 : index
    %get3A_68 = vector.load %arg5[%get3A_65, %get3A_66, %get3A_67] : memref<1x512x16xf32, #tpu.memory_space<vmem>>, vector<1x512x16xf32>
    %get3A_69 = vector.shape_cast %get3A_68 : vector<1x512x16xf32> to vector<512x16xf32>
    %get3A_70 = arith.constant 0 : index
    %get3A_71 = arith.constant 0 : index
    %get3A_72 = vector.load %arg18[%get3A_70, %get3A_71] : memref<16x64xf32, #tpu.memory_space<vmem>>, vector<16x64xf32>
    %dot_general3A_73 = arith.constant dense<0.000000e+00> : vector<512x64xf32>
    %dot_general3A_74 = tpu.matmul %get3A_69, %get3A_72, %dot_general3A_73 {dimension_numbers = #tpu.dot_dimension_numbers<[1], [0], [0], [1], [0, 0, 1, 1], [], []>, transpose_lhs_hint = false} : vector<512x16xf32>, vector<16x64xf32>, vector<512x64xf32> -> vector<512x64xf32>
    %swap3A = arith.constant 0 : index
    %swap3A_75 = arith.constant 0 : index
    %swap3A_76 = arith.constant 0 : index
    %swap3A_77 = vector.load %arg20[%swap3A, %swap3A_75, %swap3A_76] : memref<1x512x64xf32, #tpu.memory_space<vmem>>, vector<1x512x64xf32>
    %swap3A_78 = vector.shape_cast %swap3A_77 : vector<1x512x64xf32> to vector<512x64xf32>
    %swap3A_79 = vector.shape_cast %add3A_34 : vector<512x64xf32> to vector<1x512x64xf32>
    tpu.vector_store %arg20[%swap3A, %swap3A_75, %swap3A_76], %swap3A_79 {strides = array<i32>} : memref<1x512x64xf32, #tpu.memory_space<vmem>>, vector<1x512x64xf32>,
    %swap3A_80 = arith.constant 0 : index
    %swap3A_81 = arith.constant 0 : index
    %swap3A_82 = arith.constant 0 : index
    %swap3A_83 = vector.load %arg21[%swap3A_80, %swap3A_81, %swap3A_82] : memref<1x512x64xf32, #tpu.memory_space<vmem>>, vector<1x512x64xf32>
    %swap3A_84 = vector.shape_cast %swap3A_83 : vector<1x512x64xf32> to vector<512x64xf32>
    %swap3A_85 = vector.shape_cast %add3A_44 : vector<512x64xf32> to vector<1x512x64xf32>
    tpu.vector_store %arg21[%swap3A_80, %swap3A_81, %swap3A_82], %swap3A_85 {strides = array<i32>} : memref<1x512x64xf32, #tpu.memory_space<vmem>>, vector<1x512x64xf32>,
    %swap3A_86 = arith.constant 0 : index
    %swap3A_87 = arith.constant 0 : index
    %swap3A_88 = arith.constant 0 : index
    %swap3A_89 = vector.load %arg23[%swap3A_86, %swap3A_87, %swap3A_88] : memref<1x512x64xf32, #tpu.memory_space<vmem>>, vector<1x512x64xf32>
    %swap3A_90 = vector.shape_cast %swap3A_89 : vector<1x512x64xf32> to vector<512x64xf32>
    %swap3A_91 = vector.shape_cast %dot_general3A_74 : vector<512x64xf32> to vector<1x512x64xf32>
    tpu.vector_store %arg23[%swap3A_86, %swap3A_87, %swap3A_88], %swap3A_91 {strides = array<i32>} : memref<1x512x64xf32, #tpu.memory_space<vmem>>, vector<1x512x64xf32>,
    %broadcast_in_dim3A = arith.constant 0.000000e+00 : f32
    %broadcast_in_dim3A_92 = vector.broadcast %broadcast_in_dim3A : f32 to vector<512x64xf32>
    %concatenate3A = tpu.concatenate %add3A_54, %add3A_64, %dot_general3A_74, %broadcast_in_dim3A_92 in 1 : vector<512x64xf32>, vector<512x64xf32>, vector<512x64xf32>, vector<512x64xf32> -> vector<512x256xf32>
    %swap3A_93 = arith.constant 0 : index
    %swap3A_94 = arith.constant 0 : index
    %swap3A_95 = arith.constant 0 : index
    %swap3A_96 = vector.load %arg22[%swap3A_93, %swap3A_94, %swap3A_95] : memref<1x512x256xf32, #tpu.memory_space<vmem>>, vector<1x512x256xf32>
    %swap3A_97 = vector.shape_cast %swap3A_96 : vector<1x512x256xf32> to vector<512x256xf32>
    %swap3A_98 = vector.shape_cast %concatenate3A : vector<512x256xf32> to vector<1x512x256xf32>
    tpu.vector_store %arg22[%swap3A_93, %swap3A_94, %swap3A_95], %swap3A_98 {strides = array<i32>} : memref<1x512x256xf32, #tpu.memory_space<vmem>>, vector<1x512x256xf32>,
    %get3A_99 = arith.constant 0 : index
    %get3A_100 = arith.constant 0 : index
    %get3A_101 = arith.constant 0 : index
    %get3A_102 = vector.load %arg2[%get3A_99, %get3A_100, %get3A_101] : memref<1x512x8xf32, #tpu.memory_space<vmem>>, vector<1x512x8xf32>
    %get3A_103 = vector.shape_cast %get3A_102 : vector<1x512x8xf32> to vector<512x8xf32>
    %get3A_104 = arith.constant 0 : index
    %get3A_105 = arith.constant 0 : index
    %get3A_106 = arith.constant 0 : index
    %get3A_107 = vector.load %arg3[%get3A_104, %get3A_105, %get3A_106] : memref<1x8x2048xf32, #tpu.memory_space<vmem>>, vector<1x8x2048xf32>
    %get3A_108 = vector.shape_cast %get3A_107 : vector<1x8x2048xf32> to vector<8x2048xf32>
    %mul3A = arith.mulf %get3A_103, %get3A_103 : vector<512x8xf32>
    %reduce_sum3A = arith.constant dense<0.000000e+00> : vector<512xf32>
    %reduce_sum3A_109 = vector.multi_reduction <add>, %mul3A, %reduce_sum3A [1] : vector<512x8xf32> to vector<512xf32>
    %broadcast_in_dim3A_110 = vector.shape_cast %reduce_sum3A_109 : vector<512xf32> to vector<512x1xf32>
    %mul3A_111 = arith.mulf %get3A_108, %get3A_108 : vector<8x2048xf32>
    %reduce_sum3A_112 = arith.constant dense<0.000000e+00> : vector<2048xf32>
    %reduce_sum3A_113 = vector.multi_reduction <add>, %mul3A_111, %reduce_sum3A_112 [0] : vector<8x2048xf32> to vector<2048xf32>
    %broadcast_in_dim3A_114 = vector.shape_cast %reduce_sum3A_113 : vector<2048xf32> to vector<1x2048xf32>
    %dot_general3A_115 = arith.constant dense<0.000000e+00> : vector<512x2048xf32>
    %dot_general3A_116 = tpu.matmul %get3A_103, %get3A_108, %dot_general3A_115 {dimension_numbers = #tpu.dot_dimension_numbers<[1], [0], [0], [1], [0, 0, 1, 1], [], []>, precision = #tpu.contract_precision<fp32>, transpose_lhs_hint = false} : vector<512x8xf32>, vector<8x2048xf32>, vector<512x2048xf32> -> vector<512x2048xf32>
    %add3A_117 = vector.broadcast %broadcast_in_dim3A_110 : vector<512x1xf32> to vector<512x2048xf32>
    %add3A_118 = vector.broadcast %broadcast_in_dim3A_114 : vector<1x2048xf32> to vector<512x2048xf32>
    %add3A_119 = arith.addf %add3A_117, %add3A_118 : vector<512x2048xf32>
    %mul3A_120 = arith.constant 2.000000e+00 : f32
    %mul3A_121 = vector.broadcast %mul3A_120 : f32 to vector<512x2048xf32>
    %mul3A_122 = arith.mulf %mul3A_121, %dot_general3A_116 : vector<512x2048xf32>
    %sub3A = arith.subf %add3A_119, %mul3A_122 : vector<512x2048xf32>
    %iota3A = tpu.iota {dimensions = array<i32: 1>} : vector<512x2048xi32>
    %convert_element_type3A = arith.sitofp %iota3A : vector<512x2048xi32> to vector<512x2048xf32>
    %iota3A_123 = tpu.iota {dimensions = array<i32: 0>} : vector<512x1xi32>
    %mul3A_124 = arith.constant 512 : i32
    %mul3A_125 = arith.muli %arg1, %mul3A_124 : i32
    %add3A_126 = vector.broadcast %mul3A_125 : i32 to vector<512x1xi32>
    %add3A_127 = arith.addi %iota3A_123, %add3A_126 : vector<512x1xi32>
    %convert_element_type3A_128 = arith.sitofp %add3A_127 : vector<512x1xi32> to vector<512x1xf32>
    %eq3A = vector.broadcast %convert_element_type3A_128 : vector<512x1xf32> to vector<512x2048xf32>
    %eq3A_129 = arith.cmpf oeq, %convert_element_type3A, %eq3A : vector<512x2048xf32>
    %jit3A = arith.constant 0x7F800000 : f32
    %broadcast_in_dim3A_130 = vector.broadcast %jit3A : f32 to vector<512x2048xf32>
    %select_n3A = arith.select %eq3A_129, %broadcast_in_dim3A_130, %sub3A : vector<512x2048xi1>, vector<512x2048xf32>
    %reduce_min3A = arith.constant dense<0x7F800000> : vector<512xf32>
    %reduce_min3A_131 = vector.multi_reduction <minimumf>, %select_n3A, %reduce_min3A [1] : vector<512x2048xf32> to vector<512xf32>
    %broadcast_in_dim3A_132 = vector.shape_cast %reduce_min3A_131 : vector<512xf32> to vector<512x1xf32>
    %le3A = vector.broadcast %broadcast_in_dim3A_132 : vector<512x1xf32> to vector<512x2048xf32>
    %le3A_133 = arith.cmpf ole, %select_n3A, %le3A : vector<512x2048xf32>
    %jit3A_134 = arith.constant 4.096000e+03 : f32
    %broadcast_in_dim3A_135 = vector.broadcast %jit3A_134 : f32 to vector<512x2048xf32>
    %select_n3A_136 = arith.select %le3A_133, %convert_element_type3A, %broadcast_in_dim3A_135 : vector<512x2048xi1>, vector<512x2048xf32>
    %reduce_min3A_137 = arith.constant dense<0x7F800000> : vector<512xf32>
    %reduce_min3A_138 = vector.multi_reduction <minimumf>, %select_n3A_136, %reduce_min3A_137 [1] : vector<512x2048xf32> to vector<512xf32>
    %broadcast_in_dim3A_139 = vector.shape_cast %reduce_min3A_138 : vector<512xf32> to vector<512x1xf32>
    %eq3A_140 = vector.broadcast %broadcast_in_dim3A_139 : vector<512x1xf32> to vector<512x2048xf32>
    %eq3A_141 = arith.cmpf oeq, %convert_element_type3A, %eq3A_140 : vector<512x2048xf32>
    %jit3A_142 = arith.constant 0x7F800000 : f32
    %broadcast_in_dim3A_143 = vector.broadcast %jit3A_142 : f32 to vector<512x2048xf32>
    %select_n3A_144 = arith.select %eq3A_141, %broadcast_in_dim3A_143, %select_n3A : vector<512x2048xi1>, vector<512x2048xf32>
    %reduce_min3A_145 = arith.constant dense<0x7F800000> : vector<512xf32>
    %reduce_min3A_146 = vector.multi_reduction <minimumf>, %select_n3A_144, %reduce_min3A_145 [1] : vector<512x2048xf32> to vector<512xf32>
    %broadcast_in_dim3A_147 = vector.shape_cast %reduce_min3A_146 : vector<512xf32> to vector<512x1xf32>
    %le3A_148 = vector.broadcast %broadcast_in_dim3A_147 : vector<512x1xf32> to vector<512x2048xf32>
    %le3A_149 = arith.cmpf ole, %select_n3A_144, %le3A_148 : vector<512x2048xf32>
    %jit3A_150 = arith.constant 4.096000e+03 : f32
    %broadcast_in_dim3A_151 = vector.broadcast %jit3A_150 : f32 to vector<512x2048xf32>
    %select_n3A_152 = arith.select %le3A_149, %convert_element_type3A, %broadcast_in_dim3A_151 : vector<512x2048xi1>, vector<512x2048xf32>
    %reduce_min3A_153 = arith.constant dense<0x7F800000> : vector<512xf32>
    %reduce_min3A_154 = vector.multi_reduction <minimumf>, %select_n3A_152, %reduce_min3A_153 [1] : vector<512x2048xf32> to vector<512xf32>
    %broadcast_in_dim3A_155 = vector.shape_cast %reduce_min3A_154 : vector<512xf32> to vector<512x1xf32>
    %eq3A_156 = vector.broadcast %broadcast_in_dim3A_155 : vector<512x1xf32> to vector<512x2048xf32>
    %eq3A_157 = arith.cmpf oeq, %convert_element_type3A, %eq3A_156 : vector<512x2048xf32>
    %jit3A_158 = arith.constant 0x7F800000 : f32
    %broadcast_in_dim3A_159 = vector.broadcast %jit3A_158 : f32 to vector<512x2048xf32>
    %select_n3A_160 = arith.select %eq3A_157, %broadcast_in_dim3A_159, %select_n3A_144 : vector<512x2048xi1>, vector<512x2048xf32>
    %reduce_min3A_161 = arith.constant dense<0x7F800000> : vector<512xf32>
    %reduce_min3A_162 = vector.multi_reduction <minimumf>, %select_n3A_160, %reduce_min3A_161 [1] : vector<512x2048xf32> to vector<512xf32>
    %broadcast_in_dim3A_163 = vector.shape_cast %reduce_min3A_162 : vector<512xf32> to vector<512x1xf32>
    %le3A_164 = vector.broadcast %broadcast_in_dim3A_163 : vector<512x1xf32> to vector<512x2048xf32>
    %le3A_165 = arith.cmpf ole, %select_n3A_160, %le3A_164 : vector<512x2048xf32>
    %jit3A_166 = arith.constant 4.096000e+03 : f32
    %broadcast_in_dim3A_167 = vector.broadcast %jit3A_166 : f32 to vector<512x2048xf32>
    %select_n3A_168 = arith.select %le3A_165, %convert_element_type3A, %broadcast_in_dim3A_167 : vector<512x2048xi1>, vector<512x2048xf32>
    %reduce_min3A_169 = arith.constant dense<0x7F800000> : vector<512xf32>
    %reduce_min3A_170 = vector.multi_reduction <minimumf>, %select_n3A_168, %reduce_min3A_169 [1] : vector<512x2048xf32> to vector<512xf32>
    %broadcast_in_dim3A_171 = vector.shape_cast %reduce_min3A_170 : vector<512xf32> to vector<512x1xf32>
    %eq3A_172 = vector.broadcast %broadcast_in_dim3A_171 : vector<512x1xf32> to vector<512x2048xf32>
    %eq3A_173 = arith.cmpf oeq, %convert_element_type3A, %eq3A_172 : vector<512x2048xf32>
    %jit3A_174 = arith.constant 0x7F800000 : f32
    %broadcast_in_dim3A_175 = vector.broadcast %jit3A_174 : f32 to vector<512x2048xf32>
    %select_n3A_176 = arith.select %eq3A_173, %broadcast_in_dim3A_175, %select_n3A_160 : vector<512x2048xi1>, vector<512x2048xf32>
    %reduce_min3A_177 = arith.constant dense<0x7F800000> : vector<512xf32>
    %reduce_min3A_178 = vector.multi_reduction <minimumf>, %select_n3A_176, %reduce_min3A_177 [1] : vector<512x2048xf32> to vector<512xf32>
    %broadcast_in_dim3A_179 = vector.shape_cast %reduce_min3A_178 : vector<512xf32> to vector<512x1xf32>
    %le3A_180 = vector.broadcast %broadcast_in_dim3A_179 : vector<512x1xf32> to vector<512x2048xf32>
    %le3A_181 = arith.cmpf ole, %select_n3A_176, %le3A_180 : vector<512x2048xf32>
    %jit3A_182 = arith.constant 4.096000e+03 : f32
    %broadcast_in_dim3A_183 = vector.broadcast %jit3A_182 : f32 to vector<512x2048xf32>
    %select_n3A_184 = arith.select %le3A_181, %convert_element_type3A, %broadcast_in_dim3A_183 : vector<512x2048xi1>, vector<512x2048xf32>
    %reduce_min3A_185 = arith.constant dense<0x7F800000> : vector<512xf32>
    %reduce_min3A_186 = vector.multi_reduction <minimumf>, %select_n3A_184, %reduce_min3A_185 [1] : vector<512x2048xf32> to vector<512xf32>
    %broadcast_in_dim3A_187 = vector.shape_cast %reduce_min3A_186 : vector<512xf32> to vector<512x1xf32>
    %eq3A_188 = vector.broadcast %broadcast_in_dim3A_187 : vector<512x1xf32> to vector<512x2048xf32>
    %eq3A_189 = arith.cmpf oeq, %convert_element_type3A, %eq3A_188 : vector<512x2048xf32>
    %jit3A_190 = arith.constant 0x7F800000 : f32
    %broadcast_in_dim3A_191 = vector.broadcast %jit3A_190 : f32 to vector<512x2048xf32>
    %select_n3A_192 = arith.select %eq3A_189, %broadcast_in_dim3A_191, %select_n3A_176 : vector<512x2048xi1>, vector<512x2048xf32>
    %reduce_min3A_193 = arith.constant dense<0x7F800000> : vector<512xf32>
    %reduce_min3A_194 = vector.multi_reduction <minimumf>, %select_n3A_192, %reduce_min3A_193 [1] : vector<512x2048xf32> to vector<512xf32>
    %broadcast_in_dim3A_195 = vector.shape_cast %reduce_min3A_194 : vector<512xf32> to vector<512x1xf32>
    %le3A_196 = vector.broadcast %broadcast_in_dim3A_195 : vector<512x1xf32> to vector<512x2048xf32>
    %le3A_197 = arith.cmpf ole, %select_n3A_192, %le3A_196 : vector<512x2048xf32>
    %jit3A_198 = arith.constant 4.096000e+03 : f32
    %broadcast_in_dim3A_199 = vector.broadcast %jit3A_198 : f32 to vector<512x2048xf32>
    %select_n3A_200 = arith.select %le3A_197, %convert_element_type3A, %broadcast_in_dim3A_199 : vector<512x2048xi1>, vector<512x2048xf32>
    %reduce_min3A_201 = arith.constant dense<0x7F800000> : vector<512xf32>
    %reduce_min3A_202 = vector.multi_reduction <minimumf>, %select_n3A_200, %reduce_min3A_201 [1] : vector<512x2048xf32> to vector<512xf32>
    %broadcast_in_dim3A_203 = vector.shape_cast %reduce_min3A_202 : vector<512xf32> to vector<512x1xf32>
    %eq3A_204 = vector.broadcast %broadcast_in_dim3A_203 : vector<512x1xf32> to vector<512x2048xf32>
    %eq3A_205 = arith.cmpf oeq, %convert_element_type3A, %eq3A_204 : vector<512x2048xf32>
    %jit3A_206 = arith.constant 0x7F800000 : f32
    %broadcast_in_dim3A_207 = vector.broadcast %jit3A_206 : f32 to vector<512x2048xf32>
    %select_n3A_208 = arith.select %eq3A_205, %broadcast_in_dim3A_207, %select_n3A_192 : vector<512x2048xi1>, vector<512x2048xf32>
    %reduce_min3A_209 = arith.constant dense<0x7F800000> : vector<512xf32>
    %reduce_min3A_210 = vector.multi_reduction <minimumf>, %select_n3A_208, %reduce_min3A_209 [1] : vector<512x2048xf32> to vector<512xf32>
    %broadcast_in_dim3A_211 = vector.shape_cast %reduce_min3A_210 : vector<512xf32> to vector<512x1xf32>
    %le3A_212 = vector.broadcast %broadcast_in_dim3A_211 : vector<512x1xf32> to vector<512x2048xf32>
    %le3A_213 = arith.cmpf ole, %select_n3A_208, %le3A_212 : vector<512x2048xf32>
    %jit3A_214 = arith.constant 4.096000e+03 : f32
    %broadcast_in_dim3A_215 = vector.broadcast %jit3A_214 : f32 to vector<512x2048xf32>
    %select_n3A_216 = arith.select %le3A_213, %convert_element_type3A, %broadcast_in_dim3A_215 : vector<512x2048xi1>, vector<512x2048xf32>
    %reduce_min3A_217 = arith.constant dense<0x7F800000> : vector<512xf32>
    %reduce_min3A_218 = vector.multi_reduction <minimumf>, %select_n3A_216, %reduce_min3A_217 [1] : vector<512x2048xf32> to vector<512xf32>
    %broadcast_in_dim3A_219 = vector.shape_cast %reduce_min3A_218 : vector<512xf32> to vector<512x1xf32>
    %eq3A_220 = vector.broadcast %broadcast_in_dim3A_219 : vector<512x1xf32> to vector<512x2048xf32>
    %eq3A_221 = arith.cmpf oeq, %convert_element_type3A, %eq3A_220 : vector<512x2048xf32>
    %jit3A_222 = arith.constant 0x7F800000 : f32
    %broadcast_in_dim3A_223 = vector.broadcast %jit3A_222 : f32 to vector<512x2048xf32>
    %select_n3A_224 = arith.select %eq3A_221, %broadcast_in_dim3A_223, %select_n3A_208 : vector<512x2048xi1>, vector<512x2048xf32>
    %reduce_min3A_225 = arith.constant dense<0x7F800000> : vector<512xf32>
    %reduce_min3A_226 = vector.multi_reduction <minimumf>, %select_n3A_224, %reduce_min3A_225 [1] : vector<512x2048xf32> to vector<512xf32>
    %broadcast_in_dim3A_227 = vector.shape_cast %reduce_min3A_226 : vector<512xf32> to vector<512x1xf32>
    %le3A_228 = vector.broadcast %broadcast_in_dim3A_227 : vector<512x1xf32> to vector<512x2048xf32>
    %le3A_229 = arith.cmpf ole, %select_n3A_224, %le3A_228 : vector<512x2048xf32>
    %jit3A_230 = arith.constant 4.096000e+03 : f32
    %broadcast_in_dim3A_231 = vector.broadcast %jit3A_230 : f32 to vector<512x2048xf32>
    %select_n3A_232 = arith.select %le3A_229, %convert_element_type3A, %broadcast_in_dim3A_231 : vector<512x2048xi1>, vector<512x2048xf32>
    %reduce_min3A_233 = arith.constant dense<0x7F800000> : vector<512xf32>
    %reduce_min3A_234 = vector.multi_reduction <minimumf>, %select_n3A_232, %reduce_min3A_233 [1] : vector<512x2048xf32> to vector<512xf32>
    %broadcast_in_dim3A_235 = vector.shape_cast %reduce_min3A_234 : vector<512xf32> to vector<512x1xf32>
    %eq3A_236 = vector.broadcast %broadcast_in_dim3A_235 : vector<512x1xf32> to vector<512x2048xf32>
    %eq3A_237 = arith.cmpf oeq, %convert_element_type3A, %eq3A_236 : vector<512x2048xf32>
    %jit3A_238 = arith.constant 0x7F800000 : f32
    %broadcast_in_dim3A_239 = vector.broadcast %jit3A_238 : f32 to vector<512x2048xf32>
    %select_n3A_240 = arith.select %eq3A_237, %broadcast_in_dim3A_239, %select_n3A_224 : vector<512x2048xi1>, vector<512x2048xf32>
    %reduce_min3A_241 = arith.constant dense<0x7F800000> : vector<512xf32>
    %reduce_min3A_242 = vector.multi_reduction <minimumf>, %select_n3A_240, %reduce_min3A_241 [1] : vector<512x2048xf32> to vector<512xf32>
    %broadcast_in_dim3A_243 = vector.shape_cast %reduce_min3A_242 : vector<512xf32> to vector<512x1xf32>
    %le3A_244 = vector.broadcast %broadcast_in_dim3A_243 : vector<512x1xf32> to vector<512x2048xf32>
    %le3A_245 = arith.cmpf ole, %select_n3A_240, %le3A_244 : vector<512x2048xf32>
    %jit3A_246 = arith.constant 4.096000e+03 : f32
    %broadcast_in_dim3A_247 = vector.broadcast %jit3A_246 : f32 to vector<512x2048xf32>
    %select_n3A_248 = arith.select %le3A_245, %convert_element_type3A, %broadcast_in_dim3A_247 : vector<512x2048xi1>, vector<512x2048xf32>
    %reduce_min3A_249 = arith.constant dense<0x7F800000> : vector<512xf32>
    %reduce_min3A_250 = vector.multi_reduction <minimumf>, %select_n3A_248, %reduce_min3A_249 [1] : vector<512x2048xf32> to vector<512xf32>
    %broadcast_in_dim3A_251 = vector.shape_cast %reduce_min3A_250 : vector<512xf32> to vector<512x1xf32>
    %eq3A_252 = vector.broadcast %broadcast_in_dim3A_251 : vector<512x1xf32> to vector<512x2048xf32>
    %eq3A_253 = arith.cmpf oeq, %convert_element_type3A, %eq3A_252 : vector<512x2048xf32>
    %jit3A_254 = arith.constant 0x7F800000 : f32
    %broadcast_in_dim3A_255 = vector.broadcast %jit3A_254 : f32 to vector<512x2048xf32>
    %select_n3A_256 = arith.select %eq3A_253, %broadcast_in_dim3A_255, %select_n3A_240 : vector<512x2048xi1>, vector<512x2048xf32>
    %reduce_min3A_257 = arith.constant dense<0x7F800000> : vector<512xf32>
    %reduce_min3A_258 = vector.multi_reduction <minimumf>, %select_n3A_256, %reduce_min3A_257 [1] : vector<512x2048xf32> to vector<512xf32>
    %broadcast_in_dim3A_259 = vector.shape_cast %reduce_min3A_258 : vector<512xf32> to vector<512x1xf32>
    %le3A_260 = vector.broadcast %broadcast_in_dim3A_259 : vector<512x1xf32> to vector<512x2048xf32>
    %le3A_261 = arith.cmpf ole, %select_n3A_256, %le3A_260 : vector<512x2048xf32>
    %jit3A_262 = arith.constant 4.096000e+03 : f32
    %broadcast_in_dim3A_263 = vector.broadcast %jit3A_262 : f32 to vector<512x2048xf32>
    %select_n3A_264 = arith.select %le3A_261, %convert_element_type3A, %broadcast_in_dim3A_263 : vector<512x2048xi1>, vector<512x2048xf32>
    %reduce_min3A_265 = arith.constant dense<0x7F800000> : vector<512xf32>
    %reduce_min3A_266 = vector.multi_reduction <minimumf>, %select_n3A_264, %reduce_min3A_265 [1] : vector<512x2048xf32> to vector<512xf32>
    %broadcast_in_dim3A_267 = vector.shape_cast %reduce_min3A_266 : vector<512xf32> to vector<512x1xf32>
    %eq3A_268 = vector.broadcast %broadcast_in_dim3A_267 : vector<512x1xf32> to vector<512x2048xf32>
    %eq3A_269 = arith.cmpf oeq, %convert_element_type3A, %eq3A_268 : vector<512x2048xf32>
    %jit3A_270 = arith.constant 0x7F800000 : f32
    %broadcast_in_dim3A_271 = vector.broadcast %jit3A_270 : f32 to vector<512x2048xf32>
    %select_n3A_272 = arith.select %eq3A_269, %broadcast_in_dim3A_271, %select_n3A_256 : vector<512x2048xi1>, vector<512x2048xf32>
    %reduce_min3A_273 = arith.constant dense<0x7F800000> : vector<512xf32>
    %reduce_min3A_274 = vector.multi_reduction <minimumf>, %select_n3A_272, %reduce_min3A_273 [1] : vector<512x2048xf32> to vector<512xf32>
    %broadcast_in_dim3A_275 = vector.shape_cast %reduce_min3A_274 : vector<512xf32> to vector<512x1xf32>
    %le3A_276 = vector.broadcast %broadcast_in_dim3A_275 : vector<512x1xf32> to vector<512x2048xf32>
    %le3A_277 = arith.cmpf ole, %select_n3A_272, %le3A_276 : vector<512x2048xf32>
    %jit3A_278 = arith.constant 4.096000e+03 : f32
    %broadcast_in_dim3A_279 = vector.broadcast %jit3A_278 : f32 to vector<512x2048xf32>
    %select_n3A_280 = arith.select %le3A_277, %convert_element_type3A, %broadcast_in_dim3A_279 : vector<512x2048xi1>, vector<512x2048xf32>
    %reduce_min3A_281 = arith.constant dense<0x7F800000> : vector<512xf32>
    %reduce_min3A_282 = vector.multi_reduction <minimumf>, %select_n3A_280, %reduce_min3A_281 [1] : vector<512x2048xf32> to vector<512xf32>
    %broadcast_in_dim3A_283 = vector.shape_cast %reduce_min3A_282 : vector<512xf32> to vector<512x1xf32>
    %eq3A_284 = vector.broadcast %broadcast_in_dim3A_283 : vector<512x1xf32> to vector<512x2048xf32>
    %eq3A_285 = arith.cmpf oeq, %convert_element_type3A, %eq3A_284 : vector<512x2048xf32>
    %jit3A_286 = arith.constant 0x7F800000 : f32
    %broadcast_in_dim3A_287 = vector.broadcast %jit3A_286 : f32 to vector<512x2048xf32>
    %select_n3A_288 = arith.select %eq3A_285, %broadcast_in_dim3A_287, %select_n3A_272 : vector<512x2048xi1>, vector<512x2048xf32>
    %reduce_min3A_289 = arith.constant dense<0x7F800000> : vector<512xf32>
    %reduce_min3A_290 = vector.multi_reduction <minimumf>, %select_n3A_288, %reduce_min3A_289 [1] : vector<512x2048xf32> to vector<512xf32>
    %broadcast_in_dim3A_291 = vector.shape_cast %reduce_min3A_290 : vector<512xf32> to vector<512x1xf32>
    %le3A_292 = vector.broadcast %broadcast_in_dim3A_291 : vector<512x1xf32> to vector<512x2048xf32>
    %le3A_293 = arith.cmpf ole, %select_n3A_288, %le3A_292 : vector<512x2048xf32>
    %jit3A_294 = arith.constant 4.096000e+03 : f32
    %broadcast_in_dim3A_295 = vector.broadcast %jit3A_294 : f32 to vector<512x2048xf32>
    %select_n3A_296 = arith.select %le3A_293, %convert_element_type3A, %broadcast_in_dim3A_295 : vector<512x2048xi1>, vector<512x2048xf32>
    %reduce_min3A_297 = arith.constant dense<0x7F800000> : vector<512xf32>
    %reduce_min3A_298 = vector.multi_reduction <minimumf>, %select_n3A_296, %reduce_min3A_297 [1] : vector<512x2048xf32> to vector<512xf32>
    %broadcast_in_dim3A_299 = vector.shape_cast %reduce_min3A_298 : vector<512xf32> to vector<512x1xf32>
    %eq3A_300 = vector.broadcast %broadcast_in_dim3A_299 : vector<512x1xf32> to vector<512x2048xf32>
    %eq3A_301 = arith.cmpf oeq, %convert_element_type3A, %eq3A_300 : vector<512x2048xf32>
    %jit3A_302 = arith.constant 0x7F800000 : f32
    %broadcast_in_dim3A_303 = vector.broadcast %jit3A_302 : f32 to vector<512x2048xf32>
    %select_n3A_304 = arith.select %eq3A_301, %broadcast_in_dim3A_303, %select_n3A_288 : vector<512x2048xi1>, vector<512x2048xf32>
    %reduce_min3A_305 = arith.constant dense<0x7F800000> : vector<512xf32>
    %reduce_min3A_306 = vector.multi_reduction <minimumf>, %select_n3A_304, %reduce_min3A_305 [1] : vector<512x2048xf32> to vector<512xf32>
    %broadcast_in_dim3A_307 = vector.shape_cast %reduce_min3A_306 : vector<512xf32> to vector<512x1xf32>
    %le3A_308 = vector.broadcast %broadcast_in_dim3A_307 : vector<512x1xf32> to vector<512x2048xf32>
    %le3A_309 = arith.cmpf ole, %select_n3A_304, %le3A_308 : vector<512x2048xf32>
    %jit3A_310 = arith.constant 4.096000e+03 : f32
    %broadcast_in_dim3A_311 = vector.broadcast %jit3A_310 : f32 to vector<512x2048xf32>
    %select_n3A_312 = arith.select %le3A_309, %convert_element_type3A, %broadcast_in_dim3A_311 : vector<512x2048xi1>, vector<512x2048xf32>
    %reduce_min3A_313 = arith.constant dense<0x7F800000> : vector<512xf32>
    %reduce_min3A_314 = vector.multi_reduction <minimumf>, %select_n3A_312, %reduce_min3A_313 [1] : vector<512x2048xf32> to vector<512xf32>
    %broadcast_in_dim3A_315 = vector.shape_cast %reduce_min3A_314 : vector<512xf32> to vector<512x1xf32>
    %eq3A_316 = vector.broadcast %broadcast_in_dim3A_315 : vector<512x1xf32> to vector<512x2048xf32>
    %eq3A_317 = arith.cmpf oeq, %convert_element_type3A, %eq3A_316 : vector<512x2048xf32>
    %jit3A_318 = arith.constant 0x7F800000 : f32
    %broadcast_in_dim3A_319 = vector.broadcast %jit3A_318 : f32 to vector<512x2048xf32>
    %select_n3A_320 = arith.select %eq3A_317, %broadcast_in_dim3A_319, %select_n3A_304 : vector<512x2048xi1>, vector<512x2048xf32>
    %reduce_min3A_321 = arith.constant dense<0x7F800000> : vector<512xf32>
    %reduce_min3A_322 = vector.multi_reduction <minimumf>, %select_n3A_320, %reduce_min3A_321 [1] : vector<512x2048xf32> to vector<512xf32>
    %broadcast_in_dim3A_323 = vector.shape_cast %reduce_min3A_322 : vector<512xf32> to vector<512x1xf32>
    %le3A_324 = vector.broadcast %broadcast_in_dim3A_323 : vector<512x1xf32> to vector<512x2048xf32>
    %le3A_325 = arith.cmpf ole, %select_n3A_320, %le3A_324 : vector<512x2048xf32>
    %jit3A_326 = arith.constant 4.096000e+03 : f32
    %broadcast_in_dim3A_327 = vector.broadcast %jit3A_326 : f32 to vector<512x2048xf32>
    %select_n3A_328 = arith.select %le3A_325, %convert_element_type3A, %broadcast_in_dim3A_327 : vector<512x2048xi1>, vector<512x2048xf32>
    %reduce_min3A_329 = arith.constant dense<0x7F800000> : vector<512xf32>
    %reduce_min3A_330 = vector.multi_reduction <minimumf>, %select_n3A_328, %reduce_min3A_329 [1] : vector<512x2048xf32> to vector<512xf32>
    %broadcast_in_dim3A_331 = vector.shape_cast %reduce_min3A_330 : vector<512xf32> to vector<512x1xf32>
    %eq3A_332 = vector.broadcast %broadcast_in_dim3A_331 : vector<512x1xf32> to vector<512x2048xf32>
    %eq3A_333 = arith.cmpf oeq, %convert_element_type3A, %eq3A_332 : vector<512x2048xf32>
    %jit3A_334 = arith.constant 0x7F800000 : f32
    %broadcast_in_dim3A_335 = vector.broadcast %jit3A_334 : f32 to vector<512x2048xf32>
    %select_n3A_336 = arith.select %eq3A_333, %broadcast_in_dim3A_335, %select_n3A_320 : vector<512x2048xi1>, vector<512x2048xf32>
    %reduce_min3A_337 = arith.constant dense<0x7F800000> : vector<512xf32>
    %reduce_min3A_338 = vector.multi_reduction <minimumf>, %select_n3A_336, %reduce_min3A_337 [1] : vector<512x2048xf32> to vector<512xf32>
    %broadcast_in_dim3A_339 = vector.shape_cast %reduce_min3A_338 : vector<512xf32> to vector<512x1xf32>
    %le3A_340 = vector.broadcast %broadcast_in_dim3A_339 : vector<512x1xf32> to vector<512x2048xf32>
    %le3A_341 = arith.cmpf ole, %select_n3A_336, %le3A_340 : vector<512x2048xf32>
    %jit3A_342 = arith.constant 4.096000e+03 : f32
    %broadcast_in_dim3A_343 = vector.broadcast %jit3A_342 : f32 to vector<512x2048xf32>
    %select_n3A_344 = arith.select %le3A_341, %convert_element_type3A, %broadcast_in_dim3A_343 : vector<512x2048xi1>, vector<512x2048xf32>
    %reduce_min3A_345 = arith.constant dense<0x7F800000> : vector<512xf32>
    %reduce_min3A_346 = vector.multi_reduction <minimumf>, %select_n3A_344, %reduce_min3A_345 [1] : vector<512x2048xf32> to vector<512xf32>
    %broadcast_in_dim3A_347 = vector.shape_cast %reduce_min3A_346 : vector<512xf32> to vector<512x1xf32>
    %eq3A_348 = vector.broadcast %broadcast_in_dim3A_347 : vector<512x1xf32> to vector<512x2048xf32>
    %eq3A_349 = arith.cmpf oeq, %convert_element_type3A, %eq3A_348 : vector<512x2048xf32>
    %jit3A_350 = arith.constant 0x7F800000 : f32
    %broadcast_in_dim3A_351 = vector.broadcast %jit3A_350 : f32 to vector<512x2048xf32>
    %select_n3A_352 = arith.select %eq3A_349, %broadcast_in_dim3A_351, %select_n3A_336 : vector<512x2048xi1>, vector<512x2048xf32>
    %reduce_min3A_353 = arith.constant dense<0x7F800000> : vector<512xf32>
    %reduce_min3A_354 = vector.multi_reduction <minimumf>, %select_n3A_352, %reduce_min3A_353 [1] : vector<512x2048xf32> to vector<512xf32>
    %broadcast_in_dim3A_355 = vector.shape_cast %reduce_min3A_354 : vector<512xf32> to vector<512x1xf32>
    %le3A_356 = vector.broadcast %broadcast_in_dim3A_355 : vector<512x1xf32> to vector<512x2048xf32>
    %le3A_357 = arith.cmpf ole, %select_n3A_352, %le3A_356 : vector<512x2048xf32>
    %jit3A_358 = arith.constant 4.096000e+03 : f32
    %broadcast_in_dim3A_359 = vector.broadcast %jit3A_358 : f32 to vector<512x2048xf32>
    %select_n3A_360 = arith.select %le3A_357, %convert_element_type3A, %broadcast_in_dim3A_359 : vector<512x2048xi1>, vector<512x2048xf32>
    %reduce_min3A_361 = arith.constant dense<0x7F800000> : vector<512xf32>
    %reduce_min3A_362 = vector.multi_reduction <minimumf>, %select_n3A_360, %reduce_min3A_361 [1] : vector<512x2048xf32> to vector<512xf32>
    %broadcast_in_dim3A_363 = vector.shape_cast %reduce_min3A_362 : vector<512xf32> to vector<512x1xf32>
    %eq3A_364 = vector.broadcast %broadcast_in_dim3A_363 : vector<512x1xf32> to vector<512x2048xf32>
    %eq3A_365 = arith.cmpf oeq, %convert_element_type3A, %eq3A_364 : vector<512x2048xf32>
    %jit3A_366 = arith.constant 0x7F800000 : f32
    %broadcast_in_dim3A_367 = vector.broadcast %jit3A_366 : f32 to vector<512x2048xf32>
    %select_n3A_368 = arith.select %eq3A_365, %broadcast_in_dim3A_367, %select_n3A_352 : vector<512x2048xi1>, vector<512x2048xf32>
    %reduce_min3A_369 = arith.constant dense<0x7F800000> : vector<512xf32>
    %reduce_min3A_370 = vector.multi_reduction <minimumf>, %select_n3A_368, %reduce_min3A_369 [1] : vector<512x2048xf32> to vector<512xf32>
    %broadcast_in_dim3A_371 = vector.shape_cast %reduce_min3A_370 : vector<512xf32> to vector<512x1xf32>
    %le3A_372 = vector.broadcast %broadcast_in_dim3A_371 : vector<512x1xf32> to vector<512x2048xf32>
    %le3A_373 = arith.cmpf ole, %select_n3A_368, %le3A_372 : vector<512x2048xf32>
    %jit3A_374 = arith.constant 4.096000e+03 : f32
    %broadcast_in_dim3A_375 = vector.broadcast %jit3A_374 : f32 to vector<512x2048xf32>
    %select_n3A_376 = arith.select %le3A_373, %convert_element_type3A, %broadcast_in_dim3A_375 : vector<512x2048xi1>, vector<512x2048xf32>
    %reduce_min3A_377 = arith.constant dense<0x7F800000> : vector<512xf32>
    %reduce_min3A_378 = vector.multi_reduction <minimumf>, %select_n3A_376, %reduce_min3A_377 [1] : vector<512x2048xf32> to vector<512xf32>
    %broadcast_in_dim3A_379 = vector.shape_cast %reduce_min3A_378 : vector<512xf32> to vector<512x1xf32>
    %concatenate3A_380 = tpu.concatenate %broadcast_in_dim3A_139, %broadcast_in_dim3A_155, %broadcast_in_dim3A_171, %broadcast_in_dim3A_187, %broadcast_in_dim3A_203, %broadcast_in_dim3A_219, %broadcast_in_dim3A_235, %broadcast_in_dim3A_251, %broadcast_in_dim3A_267, %broadcast_in_dim3A_283, %broadcast_in_dim3A_299, %broadcast_in_dim3A_315, %broadcast_in_dim3A_331, %broadcast_in_dim3A_347, %broadcast_in_dim3A_363, %broadcast_in_dim3A_379 in 1 : vector<512x1xf32>, vector<512x1xf32>, vector<512x1xf32>, vector<512x1xf32>, vector<512x1xf32>, vector<512x1xf32>, vector<512x1xf32>, vector<512x1xf32>, vector<512x1xf32>, vector<512x1xf32>, vector<512x1xf32>, vector<512x1xf32>, vector<512x1xf32>, vector<512x1xf32>, vector<512x1xf32>, vector<512x1xf32> -> vector<512x16xf32>
    %convert_element_type3A_381 = arith.fptosi %concatenate3A_380 : vector<512x16xf32> to vector<512x16xi32>
    %mul3A_382 = arith.constant 2048 : i32
    %mul3A_383 = arith.muli %arg0, %mul3A_382 : i32
    %add3A_384 = vector.broadcast %mul3A_383 : i32 to vector<512x16xi32>
    %add3A_385 = arith.addi %convert_element_type3A_381, %add3A_384 : vector<512x16xi32>
    %swap3A_386 = arith.constant 0 : index
    %swap3A_387 = arith.constant 0 : index
    %swap3A_388 = arith.constant 0 : index
    %swap3A_389 = vector.load %arg19[%swap3A_386, %swap3A_387, %swap3A_388] : memref<1x512x16xi32, #tpu.memory_space<vmem>>, vector<1x512x16xi32>
    %swap3A_390 = vector.shape_cast %swap3A_389 : vector<1x512x16xi32> to vector<512x16xi32>
    %swap3A_391 = vector.shape_cast %add3A_385 : vector<512x16xi32> to vector<1x512x16xi32>
    tpu.vector_store %arg19[%swap3A_386, %swap3A_387, %swap3A_388], %swap3A_391 {strides = array<i32>} : memref<1x512x16xi32, #tpu.memory_space<vmem>>, vector<1x512x16xi32>,
    return
  }
  func.func @transform_0(%arg0: i32, %arg1: i32) -> (i32, i32, i32) {
    %c0_i32 = arith.constant 0 : i32
    %c0_i32_0 = arith.constant 0 : i32
    return %arg0, %arg1, %c0_i32 : i32, i32, i32
  }
  func.func @transform_1(%arg0: i32, %arg1: i32) -> (i32, i32, i32) {
    %c0_i32 = arith.constant 0 : i32
    %c0_i32_0 = arith.constant 0 : i32
    %c0_i32_1 = arith.constant 0 : i32
    return %arg0, %c0_i32, %c0_i32_0 : i32, i32, i32
  }
  func.func @transform_2(%arg0: i32, %arg1: i32) -> (i32, i32, i32) {
    %c0_i32 = arith.constant 0 : i32
    %c0_i32_0 = arith.constant 0 : i32
    return %arg0, %c0_i32, %arg1 : i32, i32, i32
  }
  func.func @transform_3(%arg0: i32, %arg1: i32) -> (i32, i32, i32) {
    %c0_i32 = arith.constant 0 : i32
    %c0_i32_0 = arith.constant 0 : i32
    return %arg0, %arg1, %c0_i32 : i32, i32, i32
  }
  func.func @transform_4(%arg0: i32, %arg1: i32) -> (i32, i32) {
    %c0_i32 = arith.constant 0 : i32
    %c0_i32_0 = arith.constant 0 : i32
    %c0_i32_1 = arith.constant 0 : i32
    return %c0_i32, %c0_i32_0 : i32, i32
  }
  func.func @transform_5(%arg0: i32, %arg1: i32) -> (i32, i32) {
    %c0_i32 = arith.constant 0 : i32
    %c0_i32_0 = arith.constant 0 : i32
    %c0_i32_1 = arith.constant 0 : i32
    return %c0_i32, %c0_i32_0 : i32, i32
  }
  func.func @transform_6(%arg0: i32, %arg1: i32) -> (i32, i32) {
    %c0_i32 = arith.constant 0 : i32
    %c0_i32_0 = arith.constant 0 : i32
    %c0_i32_1 = arith.constant 0 : i32
    return %c0_i32, %c0_i32_0 : i32, i32
  }
  func.func @transform_7(%arg0: i32, %arg1: i32) -> (i32, i32) {
    %c0_i32 = arith.constant 0 : i32
    %c0_i32_0 = arith.constant 0 : i32
    %c0_i32_1 = arith.constant 0 : i32
    return %c0_i32, %c0_i32_0 : i32, i32
  }
  func.func @transform_8(%arg0: i32, %arg1: i32) -> (i32, i32) {
    %c0_i32 = arith.constant 0 : i32
    %c0_i32_0 = arith.constant 0 : i32
    %c0_i32_1 = arith.constant 0 : i32
    return %c0_i32, %c0_i32_0 : i32, i32
  }
  func.func @transform_9(%arg0: i32, %arg1: i32) -> (i32, i32) {
    %c0_i32 = arith.constant 0 : i32
    %c0_i32_0 = arith.constant 0 : i32
    %c0_i32_1 = arith.constant 0 : i32
    return %c0_i32, %c0_i32_0 : i32, i32
  }
  func.func @transform_10(%arg0: i32, %arg1: i32) -> (i32, i32) {
    %c0_i32 = arith.constant 0 : i32
    %c0_i32_0 = arith.constant 0 : i32
    %c0_i32_1 = arith.constant 0 : i32
    return %c0_i32, %c0_i32_0 : i32, i32
  }
  func.func @transform_11(%arg0: i32, %arg1: i32) -> (i32, i32) {
    %c0_i32 = arith.constant 0 : i32
    %c0_i32_0 = arith.constant 0 : i32
    %c0_i32_1 = arith.constant 0 : i32
    return %c0_i32, %c0_i32_0 : i32, i32
  }
  func.func @transform_12(%arg0: i32, %arg1: i32) -> (i32, i32) {
    %c0_i32 = arith.constant 0 : i32
    %c0_i32_0 = arith.constant 0 : i32
    %c0_i32_1 = arith.constant 0 : i32
    return %c0_i32, %c0_i32_0 : i32, i32
  }
  func.func @transform_13(%arg0: i32, %arg1: i32) -> (i32, i32) {
    %c0_i32 = arith.constant 0 : i32
    %c0_i32_0 = arith.constant 0 : i32
    %c0_i32_1 = arith.constant 0 : i32
    return %c0_i32, %c0_i32_0 : i32, i32
  }
  func.func @transform_14(%arg0: i32, %arg1: i32) -> (i32, i32) {
    %c0_i32 = arith.constant 0 : i32
    %c0_i32_0 = arith.constant 0 : i32
    %c0_i32_1 = arith.constant 0 : i32
    return %c0_i32, %c0_i32_0 : i32, i32
  }
  func.func @transform_15(%arg0: i32, %arg1: i32) -> (i32, i32) {
    %c0_i32 = arith.constant 0 : i32
    %c0_i32_0 = arith.constant 0 : i32
    %c0_i32_1 = arith.constant 0 : i32
    return %c0_i32, %c0_i32_0 : i32, i32
  }
  func.func @transform_16(%arg0: i32, %arg1: i32) -> (i32, i32) {
    %c0_i32 = arith.constant 0 : i32
    %c0_i32_0 = arith.constant 0 : i32
    %c0_i32_1 = arith.constant 0 : i32
    return %c0_i32, %c0_i32_0 : i32, i32
  }
  func.func @transform_17(%arg0: i32, %arg1: i32) -> (i32, i32, i32) {
    %c0_i32 = arith.constant 0 : i32
    %c0_i32_0 = arith.constant 0 : i32
    return %arg0, %arg1, %c0_i32 : i32, i32, i32
  }
  func.func @transform_18(%arg0: i32, %arg1: i32) -> (i32, i32, i32) {
    %c0_i32 = arith.constant 0 : i32
    %c0_i32_0 = arith.constant 0 : i32
    return %arg0, %arg1, %c0_i32 : i32, i32, i32
  }
  func.func @transform_19(%arg0: i32, %arg1: i32) -> (i32, i32, i32) {
    %c0_i32 = arith.constant 0 : i32
    %c0_i32_0 = arith.constant 0 : i32
    return %arg0, %arg1, %c0_i32 : i32, i32, i32
  }
  func.func @transform_20(%arg0: i32, %arg1: i32) -> (i32, i32, i32) {
    %c0_i32 = arith.constant 0 : i32
    %c0_i32_0 = arith.constant 0 : i32
    return %arg0, %arg1, %c0_i32 : i32, i32, i32
  }
  func.func @transform_21(%arg0: i32, %arg1: i32) -> (i32, i32, i32) {
    %c0_i32 = arith.constant 0 : i32
    %c0_i32_0 = arith.constant 0 : i32
    return %arg0, %arg1, %c0_i32 : i32, i32, i32
  }
}

module attributes {stable_mosaic.version = 14 : i64} {
  func.func @_attn_body(%arg0: i32, %arg1: i32, %arg2: memref<1x4096x256xf32, #tpu.memory_space<vmem>>, %arg3: memref<1x256x64xf32, #tpu.memory_space<vmem>>, %arg4: memref<1x256x64xf32, #tpu.memory_space<vmem>>, %arg5: memref<1x256x64xf32, #tpu.memory_space<vmem>>, %arg6: memref<1x64xf32, #tpu.memory_space<vmem>>, %arg7: memref<64x64xf32, #tpu.memory_space<vmem>>, %arg8: memref<1x64xf32, #tpu.memory_space<vmem>>, %arg9: memref<64x256xf32, #tpu.memory_space<vmem>>, %arg10: memref<1x256xf32, #tpu.memory_space<vmem>>, %arg11: memref<256x64xf32, #tpu.memory_space<vmem>>, %arg12: memref<1x64xf32, #tpu.memory_space<vmem>>, %arg13: memref<4x64x64xf32, #tpu.memory_space<vmem>>, %arg14: memref<1x64xf32, #tpu.memory_space<vmem>>, %arg15: memref<64x64xf32, #tpu.memory_space<vmem>>, %arg16: memref<1x64xf32, #tpu.memory_space<vmem>>, %arg17: memref<64x8xf32, #tpu.memory_space<vmem>>, %arg18: memref<1x8xf32, #tpu.memory_space<vmem>>, %arg19: memref<1x1024x64xf32, #tpu.memory_space<vmem>>, %arg20: memref<1x1024x8xf32, #tpu.memory_space<vmem>>) attributes {dimension_semantics = [#tpu.dimension_semantics<parallel>, #tpu.dimension_semantics<parallel>], iteration_bounds = array<i64: 2, 8>, scalar_prefetch = 0 : i64, scratch_operands = 0 : i64, tpu.core_type = #tpu.core_type<tc>, window_params = [{transform_indices = @transform_0, window_bounds = array<i64: 1, 4096, 256>}, {transform_indices = @transform_1, window_bounds = array<i64: 1, 256, 64>}, {transform_indices = @transform_2, window_bounds = array<i64: 1, 256, 64>}, {transform_indices = @transform_3, window_bounds = array<i64: 1, 256, 64>}, {pipeline_mode = #tpu.pipeline_mode<synchronous>, transform_indices = @transform_4, window_bounds = array<i64: 1, 64>}, {pipeline_mode = #tpu.pipeline_mode<synchronous>, transform_indices = @transform_5, window_bounds = array<i64: 64, 64>}, {pipeline_mode = #tpu.pipeline_mode<synchronous>, transform_indices = @transform_6, window_bounds = array<i64: 1, 64>}, {pipeline_mode = #tpu.pipeline_mode<synchronous>, transform_indices = @transform_7, window_bounds = array<i64: 64, 256>}, {pipeline_mode = #tpu.pipeline_mode<synchronous>, transform_indices = @transform_8, window_bounds = array<i64: 1, 256>}, {pipeline_mode = #tpu.pipeline_mode<synchronous>, transform_indices = @transform_9, window_bounds = array<i64: 256, 64>}, {pipeline_mode = #tpu.pipeline_mode<synchronous>, transform_indices = @transform_10, window_bounds = array<i64: 1, 64>}, {pipeline_mode = #tpu.pipeline_mode<synchronous>, transform_indices = @transform_11, window_bounds = array<i64: 4, 64, 64>}, {pipeline_mode = #tpu.pipeline_mode<synchronous>, transform_indices = @transform_12, window_bounds = array<i64: 1, 64>}, {pipeline_mode = #tpu.pipeline_mode<synchronous>, transform_indices = @transform_13, window_bounds = array<i64: 64, 64>}, {pipeline_mode = #tpu.pipeline_mode<synchronous>, transform_indices = @transform_14, window_bounds = array<i64: 1, 64>}, {pipeline_mode = #tpu.pipeline_mode<synchronous>, transform_indices = @transform_15, window_bounds = array<i64: 64, 8>}, {pipeline_mode = #tpu.pipeline_mode<synchronous>, transform_indices = @transform_16, window_bounds = array<i64: 1, 8>}, {transform_indices = @transform_17, window_bounds = array<i64: 1, 1024, 64>}, {transform_indices = @transform_18, window_bounds = array<i64: 1, 1024, 8>}]} {
    %get3A = arith.constant 0 : index
    %get3A_0 = arith.constant 0 : index
    %get3A_1 = arith.constant 0 : index
    %get3A_2 = vector.load %arg2[%get3A, %get3A_0, %get3A_1] : memref<1x4096x256xf32, #tpu.memory_space<vmem>>, vector<1x4096x256xf32>
    %get3A_3 = vector.shape_cast %get3A_2 : vector<1x4096x256xf32> to vector<4096x256xf32>
    %slice3A = vector.extract_strided_slice %get3A_3 {offsets = [0, 0], sizes = [4096, 64], strides = [1, 1]} : vector<4096x256xf32> to vector<4096x64xf32>
    %slice3A_4 = vector.extract_strided_slice %get3A_3 {offsets = [0, 64], sizes = [4096, 64], strides = [1, 1]} : vector<4096x256xf32> to vector<4096x64xf32>
    %slice3A_5 = vector.extract_strided_slice %get3A_3 {offsets = [0, 128], sizes = [4096, 64], strides = [1, 1]} : vector<4096x256xf32> to vector<4096x64xf32>
    %get3A_6 = arith.constant 0 : index
    %get3A_7 = arith.constant 0 : index
    %get3A_8 = arith.constant 0 : index
    %get3A_9 = vector.load %arg3[%get3A_6, %get3A_7, %get3A_8] : memref<1x256x64xf32, #tpu.memory_space<vmem>>, vector<1x256x64xf32>
    %get3A_10 = vector.shape_cast %get3A_9 : vector<1x256x64xf32> to vector<256x64xf32>
    %get3A_11 = arith.constant 0 : index
    %get3A_12 = arith.constant 0 : index
    %get3A_13 = arith.constant 0 : index
    %get3A_14 = vector.load %arg4[%get3A_11, %get3A_12, %get3A_13] : memref<1x256x64xf32, #tpu.memory_space<vmem>>, vector<1x256x64xf32>
    %get3A_15 = vector.shape_cast %get3A_14 : vector<1x256x64xf32> to vector<256x64xf32>
    %get3A_16 = arith.constant 0 : index
    %get3A_17 = arith.constant 0 : index
    %get3A_18 = arith.constant 0 : index
    %get3A_19 = vector.load %arg5[%get3A_16, %get3A_17, %get3A_18] : memref<1x256x64xf32, #tpu.memory_space<vmem>>, vector<1x256x64xf32>
    %get3A_20 = vector.shape_cast %get3A_19 : vector<1x256x64xf32> to vector<256x64xf32>
    %broadcast_in_dim3A = vector.shape_cast %get3A_10 : vector<256x64xf32> to vector<256x1x64xf32>
    %broadcast_in_dim3A_21 = vector.shape_cast %broadcast_in_dim3A : vector<256x1x64xf32> to vector<256x1x64xf32>
    %broadcast_in_dim3A_22 = vector.broadcast %broadcast_in_dim3A_21 : vector<256x1x64xf32> to vector<256x16x64xf32>
    %reshape3A = vector.shape_cast %broadcast_in_dim3A_22 : vector<256x16x64xf32> to vector<4096x64xf32>
    %broadcast_in_dim3A_23 = vector.shape_cast %get3A_20 : vector<256x64xf32> to vector<256x1x64xf32>
    %broadcast_in_dim3A_24 = vector.shape_cast %broadcast_in_dim3A_23 : vector<256x1x64xf32> to vector<256x1x64xf32>
    %broadcast_in_dim3A_25 = vector.broadcast %broadcast_in_dim3A_24 : vector<256x1x64xf32> to vector<256x16x64xf32>
    %reshape3A_26 = vector.shape_cast %broadcast_in_dim3A_25 : vector<256x16x64xf32> to vector<4096x64xf32>
    %sub3A = arith.subf %reshape3A_26, %slice3A_5 : vector<4096x64xf32>
    %get3A_27 = arith.constant 0 : index
    %get3A_28 = arith.constant 0 : index
    %get3A_29 = vector.load %arg6[%get3A_27, %get3A_28] : memref<1x64xf32, #tpu.memory_space<vmem>>, vector<1x64xf32>
    %add3A = vector.broadcast %get3A_29 : vector<1x64xf32> to vector<4096x64xf32>
    %add3A_30 = arith.addf %sub3A, %add3A : vector<4096x64xf32>
    %max3A = arith.constant 0.000000e+00 : f32
    %max3A_31 = vector.broadcast %max3A : f32 to vector<4096x64xf32>
    %max3A_32 = arith.maximumf %add3A_30, %max3A_31 : vector<4096x64xf32>
    %get3A_33 = arith.constant 0 : index
    %get3A_34 = arith.constant 0 : index
    %get3A_35 = vector.load %arg7[%get3A_33, %get3A_34] : memref<64x64xf32, #tpu.memory_space<vmem>>, vector<64x64xf32>
    %dot_general3A = arith.constant dense<0.000000e+00> : vector<4096x64xf32>
    %dot_general3A_36 = tpu.matmul %max3A_32, %get3A_35, %dot_general3A {dimension_numbers = #tpu.dot_dimension_numbers<[1], [0], [0], [1], [0, 0, 1, 1], [], []>, transpose_lhs_hint = false} : vector<4096x64xf32>, vector<64x64xf32>, vector<4096x64xf32> -> vector<4096x64xf32>
    %get3A_37 = arith.constant 0 : index
    %get3A_38 = arith.constant 0 : index
    %get3A_39 = vector.load %arg8[%get3A_37, %get3A_38] : memref<1x64xf32, #tpu.memory_space<vmem>>, vector<1x64xf32>
    %add3A_40 = vector.broadcast %get3A_39 : vector<1x64xf32> to vector<4096x64xf32>
    %add3A_41 = arith.addf %dot_general3A_36, %add3A_40 : vector<4096x64xf32>
    %sub3A_42 = arith.subf %reshape3A, %slice3A : vector<4096x64xf32>
    %add3A_43 = arith.addf %sub3A_42, %add3A_41 : vector<4096x64xf32>
    %get3A_44 = arith.constant 0 : index
    %get3A_45 = arith.constant 0 : index
    %get3A_46 = vector.load %arg9[%get3A_44, %get3A_45] : memref<64x256xf32, #tpu.memory_space<vmem>>, vector<64x256xf32>
    %dot_general3A_47 = arith.constant dense<0.000000e+00> : vector<4096x256xf32>
    %dot_general3A_48 = tpu.matmul %add3A_43, %get3A_46, %dot_general3A_47 {dimension_numbers = #tpu.dot_dimension_numbers<[1], [0], [0], [1], [0, 0, 1, 1], [], []>, transpose_lhs_hint = false} : vector<4096x64xf32>, vector<64x256xf32>, vector<4096x256xf32> -> vector<4096x256xf32>
    %get3A_49 = arith.constant 0 : index
    %get3A_50 = arith.constant 0 : index
    %get3A_51 = vector.load %arg10[%get3A_49, %get3A_50] : memref<1x256xf32, #tpu.memory_space<vmem>>, vector<1x256xf32>
    %add3A_52 = vector.broadcast %get3A_51 : vector<1x256xf32> to vector<4096x256xf32>
    %add3A_53 = arith.addf %dot_general3A_48, %add3A_52 : vector<4096x256xf32>
    %max3A_54 = arith.constant 0.000000e+00 : f32
    %max3A_55 = vector.broadcast %max3A_54 : f32 to vector<4096x256xf32>
    %max3A_56 = arith.maximumf %add3A_53, %max3A_55 : vector<4096x256xf32>
    %get3A_57 = arith.constant 0 : index
    %get3A_58 = arith.constant 0 : index
    %get3A_59 = vector.load %arg11[%get3A_57, %get3A_58] : memref<256x64xf32, #tpu.memory_space<vmem>>, vector<256x64xf32>
    %dot_general3A_60 = arith.constant dense<0.000000e+00> : vector<4096x64xf32>
    %dot_general3A_61 = tpu.matmul %max3A_56, %get3A_59, %dot_general3A_60 {dimension_numbers = #tpu.dot_dimension_numbers<[1], [0], [0], [1], [0, 0, 1, 1], [], []>, transpose_lhs_hint = false} : vector<4096x256xf32>, vector<256x64xf32>, vector<4096x64xf32> -> vector<4096x64xf32>
    %get3A_62 = arith.constant 0 : index
    %get3A_63 = arith.constant 0 : index
    %get3A_64 = vector.load %arg12[%get3A_62, %get3A_63] : memref<1x64xf32, #tpu.memory_space<vmem>>, vector<1x64xf32>
    %add3A_65 = vector.broadcast %get3A_64 : vector<1x64xf32> to vector<4096x64xf32>
    %add3A_66 = arith.addf %dot_general3A_61, %add3A_65 : vector<4096x64xf32>
    %add3A_67 = arith.addf %slice3A_4, %add3A_41 : vector<4096x64xf32>
    %get3A_68 = arith.constant 0 : index
    %get3A_69 = arith.constant 0 : index
    %get3A_70 = arith.constant 0 : index
    %get3A_71 = vector.load %arg13[%get3A_68, %get3A_69, %get3A_70] : memref<4x64x64xf32, #tpu.memory_space<vmem>>, vector<1x64x64xf32>
    %get3A_72 = vector.shape_cast %get3A_71 : vector<1x64x64xf32> to vector<64x64xf32>
    %dot_general3A_73 = arith.constant dense<0.000000e+00> : vector<4096x64xf32>
    %dot_general3A_74 = tpu.matmul %add3A_66, %get3A_72, %dot_general3A_73 {dimension_numbers = #tpu.dot_dimension_numbers<[1], [0], [0], [1], [0, 0, 1, 1], [], []>, transpose_lhs_hint = false} : vector<4096x64xf32>, vector<64x64xf32>, vector<4096x64xf32> -> vector<4096x64xf32>
    %get3A_75 = arith.constant 0 : index
    %get3A_76 = arith.constant 0 : index
    %get3A_77 = vector.load %arg14[%get3A_75, %get3A_76] : memref<1x64xf32, #tpu.memory_space<vmem>>, vector<1x64xf32>
    %add3A_78 = vector.broadcast %get3A_77 : vector<1x64xf32> to vector<4096x64xf32>
    %add3A_79 = arith.addf %dot_general3A_74, %add3A_78 : vector<4096x64xf32>
    %reduce_max3A = arith.constant dense<0xFF800000> : vector<4096xf32>
    %reduce_max3A_80 = vector.multi_reduction <maximumf>, %add3A_79, %reduce_max3A [1] : vector<4096x64xf32> to vector<4096xf32>
    %broadcast_in_dim3A_81 = vector.shape_cast %reduce_max3A_80 : vector<4096xf32> to vector<4096x1xf32>
    %sub3A_82 = vector.broadcast %broadcast_in_dim3A_81 : vector<4096x1xf32> to vector<4096x64xf32>
    %sub3A_83 = arith.subf %add3A_79, %sub3A_82 : vector<4096x64xf32>
    %exp3A = math.exp %sub3A_83 : vector<4096x64xf32>
    %reduce_sum3A = arith.constant dense<0.000000e+00> : vector<4096xf32>
    %reduce_sum3A_84 = vector.multi_reduction <add>, %exp3A, %reduce_sum3A [1] : vector<4096x64xf32> to vector<4096xf32>
    %broadcast_in_dim3A_85 = vector.shape_cast %reduce_sum3A_84 : vector<4096xf32> to vector<4096x1xf32>
    %div3A = vector.broadcast %broadcast_in_dim3A_85 : vector<4096x1xf32> to vector<4096x64xf32>
    %div3A_86 = arith.divf %exp3A, %div3A : vector<4096x64xf32>
    %mul3A = arith.mulf %div3A_86, %add3A_67 : vector<4096x64xf32>
    %reshape3A_87 = vector.shape_cast %mul3A : vector<4096x64xf32> to vector<256x16x64xf32>
    %reduce_sum3A_88 = arith.constant dense<0.000000e+00> : vector<256x64xf32>
    %reduce_sum3A_89 = vector.multi_reduction <add>, %reshape3A_87, %reduce_sum3A_88 [1] : vector<256x16x64xf32> to vector<256x64xf32>
    %add3A_90 = arith.addf %reduce_sum3A_89, %get3A_15 : vector<256x64xf32>
    %get3A_91 = arith.constant 1 : index
    %get3A_92 = arith.constant 0 : index
    %get3A_93 = arith.constant 0 : index
    %get3A_94 = vector.load %arg13[%get3A_91, %get3A_92, %get3A_93] : memref<4x64x64xf32, #tpu.memory_space<vmem>>, vector<1x64x64xf32>
    %get3A_95 = vector.shape_cast %get3A_94 : vector<1x64x64xf32> to vector<64x64xf32>
    %dot_general3A_96 = arith.constant dense<0.000000e+00> : vector<4096x64xf32>
    %dot_general3A_97 = tpu.matmul %add3A_66, %get3A_95, %dot_general3A_96 {dimension_numbers = #tpu.dot_dimension_numbers<[1], [0], [0], [1], [0, 0, 1, 1], [], []>, transpose_lhs_hint = false} : vector<4096x64xf32>, vector<64x64xf32>, vector<4096x64xf32> -> vector<4096x64xf32>
    %get3A_98 = arith.constant 0 : index
    %get3A_99 = arith.constant 0 : index
    %get3A_100 = vector.load %arg14[%get3A_98, %get3A_99] : memref<1x64xf32, #tpu.memory_space<vmem>>, vector<1x64xf32>
    %add3A_101 = vector.broadcast %get3A_100 : vector<1x64xf32> to vector<4096x64xf32>
    %add3A_102 = arith.addf %dot_general3A_97, %add3A_101 : vector<4096x64xf32>
    %reduce_max3A_103 = arith.constant dense<0xFF800000> : vector<4096xf32>
    %reduce_max3A_104 = vector.multi_reduction <maximumf>, %add3A_102, %reduce_max3A_103 [1] : vector<4096x64xf32> to vector<4096xf32>
    %broadcast_in_dim3A_105 = vector.shape_cast %reduce_max3A_104 : vector<4096xf32> to vector<4096x1xf32>
    %sub3A_106 = vector.broadcast %broadcast_in_dim3A_105 : vector<4096x1xf32> to vector<4096x64xf32>
    %sub3A_107 = arith.subf %add3A_102, %sub3A_106 : vector<4096x64xf32>
    %exp3A_108 = math.exp %sub3A_107 : vector<4096x64xf32>
    %reduce_sum3A_109 = arith.constant dense<0.000000e+00> : vector<4096xf32>
    %reduce_sum3A_110 = vector.multi_reduction <add>, %exp3A_108, %reduce_sum3A_109 [1] : vector<4096x64xf32> to vector<4096xf32>
    %broadcast_in_dim3A_111 = vector.shape_cast %reduce_sum3A_110 : vector<4096xf32> to vector<4096x1xf32>
    %div3A_112 = vector.broadcast %broadcast_in_dim3A_111 : vector<4096x1xf32> to vector<4096x64xf32>
    %div3A_113 = arith.divf %exp3A_108, %div3A_112 : vector<4096x64xf32>
    %mul3A_114 = arith.mulf %div3A_113, %add3A_67 : vector<4096x64xf32>
    %reshape3A_115 = vector.shape_cast %mul3A_114 : vector<4096x64xf32> to vector<256x16x64xf32>
    %reduce_sum3A_116 = arith.constant dense<0.000000e+00> : vector<256x64xf32>
    %reduce_sum3A_117 = vector.multi_reduction <add>, %reshape3A_115, %reduce_sum3A_116 [1] : vector<256x16x64xf32> to vector<256x64xf32>
    %add3A_118 = arith.addf %reduce_sum3A_117, %get3A_15 : vector<256x64xf32>
    %get3A_119 = arith.constant 2 : index
    %get3A_120 = arith.constant 0 : index
    %get3A_121 = arith.constant 0 : index
    %get3A_122 = vector.load %arg13[%get3A_119, %get3A_120, %get3A_121] : memref<4x64x64xf32, #tpu.memory_space<vmem>>, vector<1x64x64xf32>
    %get3A_123 = vector.shape_cast %get3A_122 : vector<1x64x64xf32> to vector<64x64xf32>
    %dot_general3A_124 = arith.constant dense<0.000000e+00> : vector<4096x64xf32>
    %dot_general3A_125 = tpu.matmul %add3A_66, %get3A_123, %dot_general3A_124 {dimension_numbers = #tpu.dot_dimension_numbers<[1], [0], [0], [1], [0, 0, 1, 1], [], []>, transpose_lhs_hint = false} : vector<4096x64xf32>, vector<64x64xf32>, vector<4096x64xf32> -> vector<4096x64xf32>
    %get3A_126 = arith.constant 0 : index
    %get3A_127 = arith.constant 0 : index
    %get3A_128 = vector.load %arg14[%get3A_126, %get3A_127] : memref<1x64xf32, #tpu.memory_space<vmem>>, vector<1x64xf32>
    %add3A_129 = vector.broadcast %get3A_128 : vector<1x64xf32> to vector<4096x64xf32>
    %add3A_130 = arith.addf %dot_general3A_125, %add3A_129 : vector<4096x64xf32>
    %reduce_max3A_131 = arith.constant dense<0xFF800000> : vector<4096xf32>
    %reduce_max3A_132 = vector.multi_reduction <maximumf>, %add3A_130, %reduce_max3A_131 [1] : vector<4096x64xf32> to vector<4096xf32>
    %broadcast_in_dim3A_133 = vector.shape_cast %reduce_max3A_132 : vector<4096xf32> to vector<4096x1xf32>
    %sub3A_134 = vector.broadcast %broadcast_in_dim3A_133 : vector<4096x1xf32> to vector<4096x64xf32>
    %sub3A_135 = arith.subf %add3A_130, %sub3A_134 : vector<4096x64xf32>
    %exp3A_136 = math.exp %sub3A_135 : vector<4096x64xf32>
    %reduce_sum3A_137 = arith.constant dense<0.000000e+00> : vector<4096xf32>
    %reduce_sum3A_138 = vector.multi_reduction <add>, %exp3A_136, %reduce_sum3A_137 [1] : vector<4096x64xf32> to vector<4096xf32>
    %broadcast_in_dim3A_139 = vector.shape_cast %reduce_sum3A_138 : vector<4096xf32> to vector<4096x1xf32>
    %div3A_140 = vector.broadcast %broadcast_in_dim3A_139 : vector<4096x1xf32> to vector<4096x64xf32>
    %div3A_141 = arith.divf %exp3A_136, %div3A_140 : vector<4096x64xf32>
    %mul3A_142 = arith.mulf %div3A_141, %add3A_67 : vector<4096x64xf32>
    %reshape3A_143 = vector.shape_cast %mul3A_142 : vector<4096x64xf32> to vector<256x16x64xf32>
    %reduce_sum3A_144 = arith.constant dense<0.000000e+00> : vector<256x64xf32>
    %reduce_sum3A_145 = vector.multi_reduction <add>, %reshape3A_143, %reduce_sum3A_144 [1] : vector<256x16x64xf32> to vector<256x64xf32>
    %add3A_146 = arith.addf %reduce_sum3A_145, %get3A_15 : vector<256x64xf32>
    %get3A_147 = arith.constant 3 : index
    %get3A_148 = arith.constant 0 : index
    %get3A_149 = arith.constant 0 : index
    %get3A_150 = vector.load %arg13[%get3A_147, %get3A_148, %get3A_149] : memref<4x64x64xf32, #tpu.memory_space<vmem>>, vector<1x64x64xf32>
    %get3A_151 = vector.shape_cast %get3A_150 : vector<1x64x64xf32> to vector<64x64xf32>
    %dot_general3A_152 = arith.constant dense<0.000000e+00> : vector<4096x64xf32>
    %dot_general3A_153 = tpu.matmul %add3A_66, %get3A_151, %dot_general3A_152 {dimension_numbers = #tpu.dot_dimension_numbers<[1], [0], [0], [1], [0, 0, 1, 1], [], []>, transpose_lhs_hint = false} : vector<4096x64xf32>, vector<64x64xf32>, vector<4096x64xf32> -> vector<4096x64xf32>
    %get3A_154 = arith.constant 0 : index
    %get3A_155 = arith.constant 0 : index
    %get3A_156 = vector.load %arg14[%get3A_154, %get3A_155] : memref<1x64xf32, #tpu.memory_space<vmem>>, vector<1x64xf32>
    %add3A_157 = vector.broadcast %get3A_156 : vector<1x64xf32> to vector<4096x64xf32>
    %add3A_158 = arith.addf %dot_general3A_153, %add3A_157 : vector<4096x64xf32>
    %reduce_max3A_159 = arith.constant dense<0xFF800000> : vector<4096xf32>
    %reduce_max3A_160 = vector.multi_reduction <maximumf>, %add3A_158, %reduce_max3A_159 [1] : vector<4096x64xf32> to vector<4096xf32>
    %broadcast_in_dim3A_161 = vector.shape_cast %reduce_max3A_160 : vector<4096xf32> to vector<4096x1xf32>
    %sub3A_162 = vector.broadcast %broadcast_in_dim3A_161 : vector<4096x1xf32> to vector<4096x64xf32>
    %sub3A_163 = arith.subf %add3A_158, %sub3A_162 : vector<4096x64xf32>
    %exp3A_164 = math.exp %sub3A_163 : vector<4096x64xf32>
    %reduce_sum3A_165 = arith.constant dense<0.000000e+00> : vector<4096xf32>
    %reduce_sum3A_166 = vector.multi_reduction <add>, %exp3A_164, %reduce_sum3A_165 [1] : vector<4096x64xf32> to vector<4096xf32>
    %broadcast_in_dim3A_167 = vector.shape_cast %reduce_sum3A_166 : vector<4096xf32> to vector<4096x1xf32>
    %div3A_168 = vector.broadcast %broadcast_in_dim3A_167 : vector<4096x1xf32> to vector<4096x64xf32>
    %div3A_169 = arith.divf %exp3A_164, %div3A_168 : vector<4096x64xf32>
    %mul3A_170 = arith.mulf %div3A_169, %add3A_67 : vector<4096x64xf32>
    %reshape3A_171 = vector.shape_cast %mul3A_170 : vector<4096x64xf32> to vector<256x16x64xf32>
    %reduce_sum3A_172 = arith.constant dense<0.000000e+00> : vector<256x64xf32>
    %reduce_sum3A_173 = vector.multi_reduction <add>, %reshape3A_171, %reduce_sum3A_172 [1] : vector<256x16x64xf32> to vector<256x64xf32>
    %add3A_174 = arith.addf %reduce_sum3A_173, %get3A_15 : vector<256x64xf32>
    %stack3A = vector.shape_cast %add3A_90 : vector<256x64xf32> to vector<256x1x64xf32>
    %stack3A_175 = vector.shape_cast %add3A_118 : vector<256x64xf32> to vector<256x1x64xf32>
    %stack3A_176 = vector.shape_cast %add3A_146 : vector<256x64xf32> to vector<256x1x64xf32>
    %stack3A_177 = vector.shape_cast %add3A_174 : vector<256x64xf32> to vector<256x1x64xf32>
    %stack3A_178 = tpu.concatenate %stack3A, %stack3A_175, %stack3A_176, %stack3A_177 in 1 : vector<256x1x64xf32>, vector<256x1x64xf32>, vector<256x1x64xf32>, vector<256x1x64xf32> -> vector<256x4x64xf32>
    %reshape3A_179 = vector.shape_cast %stack3A_178 : vector<256x4x64xf32> to vector<1024x64xf32>
    %swap3A = arith.constant 0 : index
    %swap3A_180 = arith.constant 0 : index
    %swap3A_181 = arith.constant 0 : index
    %swap3A_182 = vector.load %arg19[%swap3A, %swap3A_180, %swap3A_181] : memref<1x1024x64xf32, #tpu.memory_space<vmem>>, vector<1x1024x64xf32>
    %swap3A_183 = vector.shape_cast %swap3A_182 : vector<1x1024x64xf32> to vector<1024x64xf32>
    %swap3A_184 = vector.shape_cast %reshape3A_179 : vector<1024x64xf32> to vector<1x1024x64xf32>
    tpu.vector_store %arg19[%swap3A, %swap3A_180, %swap3A_181], %swap3A_184 {strides = array<i32>} : memref<1x1024x64xf32, #tpu.memory_space<vmem>>, vector<1x1024x64xf32>,
    %get3A_185 = arith.constant 0 : index
    %get3A_186 = arith.constant 0 : index
    %get3A_187 = vector.load %arg15[%get3A_185, %get3A_186] : memref<64x64xf32, #tpu.memory_space<vmem>>, vector<64x64xf32>
    %dot_general3A_188 = arith.constant dense<0.000000e+00> : vector<1024x64xf32>
    %dot_general3A_189 = tpu.matmul %reshape3A_179, %get3A_187, %dot_general3A_188 {dimension_numbers = #tpu.dot_dimension_numbers<[1], [0], [0], [1], [0, 0, 1, 1], [], []>, transpose_lhs_hint = false} : vector<1024x64xf32>, vector<64x64xf32>, vector<1024x64xf32> -> vector<1024x64xf32>
    %get3A_190 = arith.constant 0 : index
    %get3A_191 = arith.constant 0 : index
    %get3A_192 = vector.load %arg16[%get3A_190, %get3A_191] : memref<1x64xf32, #tpu.memory_space<vmem>>, vector<1x64xf32>
    %add3A_193 = vector.broadcast %get3A_192 : vector<1x64xf32> to vector<1024x64xf32>
    %add3A_194 = arith.addf %dot_general3A_189, %add3A_193 : vector<1024x64xf32>
    %max3A_195 = arith.constant 0.000000e+00 : f32
    %max3A_196 = vector.broadcast %max3A_195 : f32 to vector<1024x64xf32>
    %max3A_197 = arith.maximumf %add3A_194, %max3A_196 : vector<1024x64xf32>
    %get3A_198 = arith.constant 0 : index
    %get3A_199 = arith.constant 0 : index
    %get3A_200 = vector.load %arg17[%get3A_198, %get3A_199] : memref<64x8xf32, #tpu.memory_space<vmem>>, vector<64x8xf32>
    %dot_general3A_201 = arith.constant dense<0.000000e+00> : vector<1024x8xf32>
    %dot_general3A_202 = tpu.matmul %max3A_197, %get3A_200, %dot_general3A_201 {dimension_numbers = #tpu.dot_dimension_numbers<[1], [0], [0], [1], [0, 0, 1, 1], [], []>, transpose_lhs_hint = false} : vector<1024x64xf32>, vector<64x8xf32>, vector<1024x8xf32> -> vector<1024x8xf32>
    %get3A_203 = arith.constant 0 : index
    %get3A_204 = arith.constant 0 : index
    %get3A_205 = vector.load %arg18[%get3A_203, %get3A_204] : memref<1x8xf32, #tpu.memory_space<vmem>>, vector<1x8xf32>
    %add3A_206 = vector.broadcast %get3A_205 : vector<1x8xf32> to vector<1024x8xf32>
    %add3A_207 = arith.addf %dot_general3A_202, %add3A_206 : vector<1024x8xf32>
    %swap3A_208 = arith.constant 0 : index
    %swap3A_209 = arith.constant 0 : index
    %swap3A_210 = arith.constant 0 : index
    %swap3A_211 = vector.load %arg20[%swap3A_208, %swap3A_209, %swap3A_210] : memref<1x1024x8xf32, #tpu.memory_space<vmem>>, vector<1x1024x8xf32>
    %swap3A_212 = vector.shape_cast %swap3A_211 : vector<1x1024x8xf32> to vector<1024x8xf32>
    %swap3A_213 = vector.shape_cast %add3A_207 : vector<1024x8xf32> to vector<1x1024x8xf32>
    tpu.vector_store %arg20[%swap3A_208, %swap3A_209, %swap3A_210], %swap3A_213 {strides = array<i32>} : memref<1x1024x8xf32, #tpu.memory_space<vmem>>, vector<1x1024x8xf32>,
    return
  }
  func.func @transform_0(%arg0: i32, %arg1: i32) -> (i32, i32, i32) {
    %c0_i32 = arith.constant 0 : i32
    %c0_i32_0 = arith.constant 0 : i32
    return %arg0, %arg1, %c0_i32 : i32, i32, i32
  }
  func.func @transform_1(%arg0: i32, %arg1: i32) -> (i32, i32, i32) {
    %c0_i32 = arith.constant 0 : i32
    %c0_i32_0 = arith.constant 0 : i32
    return %arg0, %arg1, %c0_i32 : i32, i32, i32
  }
  func.func @transform_2(%arg0: i32, %arg1: i32) -> (i32, i32, i32) {
    %c0_i32 = arith.constant 0 : i32
    %c0_i32_0 = arith.constant 0 : i32
    return %arg0, %arg1, %c0_i32 : i32, i32, i32
  }
  func.func @transform_3(%arg0: i32, %arg1: i32) -> (i32, i32, i32) {
    %c0_i32 = arith.constant 0 : i32
    %c0_i32_0 = arith.constant 0 : i32
    return %arg0, %arg1, %c0_i32 : i32, i32, i32
  }
  func.func @transform_4(%arg0: i32, %arg1: i32) -> (i32, i32) {
    %c0_i32 = arith.constant 0 : i32
    %c0_i32_0 = arith.constant 0 : i32
    %c0_i32_1 = arith.constant 0 : i32
    return %c0_i32, %c0_i32_0 : i32, i32
  }
  func.func @transform_5(%arg0: i32, %arg1: i32) -> (i32, i32) {
    %c0_i32 = arith.constant 0 : i32
    %c0_i32_0 = arith.constant 0 : i32
    %c0_i32_1 = arith.constant 0 : i32
    return %c0_i32, %c0_i32_0 : i32, i32
  }
  func.func @transform_6(%arg0: i32, %arg1: i32) -> (i32, i32) {
    %c0_i32 = arith.constant 0 : i32
    %c0_i32_0 = arith.constant 0 : i32
    %c0_i32_1 = arith.constant 0 : i32
    return %c0_i32, %c0_i32_0 : i32, i32
  }
  func.func @transform_7(%arg0: i32, %arg1: i32) -> (i32, i32) {
    %c0_i32 = arith.constant 0 : i32
    %c0_i32_0 = arith.constant 0 : i32
    %c0_i32_1 = arith.constant 0 : i32
    return %c0_i32, %c0_i32_0 : i32, i32
  }
  func.func @transform_8(%arg0: i32, %arg1: i32) -> (i32, i32) {
    %c0_i32 = arith.constant 0 : i32
    %c0_i32_0 = arith.constant 0 : i32
    %c0_i32_1 = arith.constant 0 : i32
    return %c0_i32, %c0_i32_0 : i32, i32
  }
  func.func @transform_9(%arg0: i32, %arg1: i32) -> (i32, i32) {
    %c0_i32 = arith.constant 0 : i32
    %c0_i32_0 = arith.constant 0 : i32
    %c0_i32_1 = arith.constant 0 : i32
    return %c0_i32, %c0_i32_0 : i32, i32
  }
  func.func @transform_10(%arg0: i32, %arg1: i32) -> (i32, i32) {
    %c0_i32 = arith.constant 0 : i32
    %c0_i32_0 = arith.constant 0 : i32
    %c0_i32_1 = arith.constant 0 : i32
    return %c0_i32, %c0_i32_0 : i32, i32
  }
  func.func @transform_11(%arg0: i32, %arg1: i32) -> (i32, i32, i32) {
    %c0_i32 = arith.constant 0 : i32
    %c0_i32_0 = arith.constant 0 : i32
    %c0_i32_1 = arith.constant 0 : i32
    %c0_i32_2 = arith.constant 0 : i32
    return %c0_i32, %c0_i32_0, %c0_i32_1 : i32, i32, i32
  }
  func.func @transform_12(%arg0: i32, %arg1: i32) -> (i32, i32) {
    %c0_i32 = arith.constant 0 : i32
    %c0_i32_0 = arith.constant 0 : i32
    %c0_i32_1 = arith.constant 0 : i32
    return %c0_i32, %c0_i32_0 : i32, i32
  }
  func.func @transform_13(%arg0: i32, %arg1: i32) -> (i32, i32) {
    %c0_i32 = arith.constant 0 : i32
    %c0_i32_0 = arith.constant 0 : i32
    %c0_i32_1 = arith.constant 0 : i32
    return %c0_i32, %c0_i32_0 : i32, i32
  }
  func.func @transform_14(%arg0: i32, %arg1: i32) -> (i32, i32) {
    %c0_i32 = arith.constant 0 : i32
    %c0_i32_0 = arith.constant 0 : i32
    %c0_i32_1 = arith.constant 0 : i32
    return %c0_i32, %c0_i32_0 : i32, i32
  }
  func.func @transform_15(%arg0: i32, %arg1: i32) -> (i32, i32) {
    %c0_i32 = arith.constant 0 : i32
    %c0_i32_0 = arith.constant 0 : i32
    %c0_i32_1 = arith.constant 0 : i32
    return %c0_i32, %c0_i32_0 : i32, i32
  }
  func.func @transform_16(%arg0: i32, %arg1: i32) -> (i32, i32) {
    %c0_i32 = arith.constant 0 : i32
    %c0_i32_0 = arith.constant 0 : i32
    %c0_i32_1 = arith.constant 0 : i32
    return %c0_i32, %c0_i32_0 : i32, i32
  }
  func.func @transform_17(%arg0: i32, %arg1: i32) -> (i32, i32, i32) {
    %c0_i32 = arith.constant 0 : i32
    %c0_i32_0 = arith.constant 0 : i32
    return %arg0, %arg1, %c0_i32 : i32, i32, i32
  }
  func.func @transform_18(%arg0: i32, %arg1: i32) -> (i32, i32, i32) {
    %c0_i32 = arith.constant 0 : i32
    %c0_i32_0 = arith.constant 0 : i32
    return %arg0, %arg1, %c0_i32 : i32, i32, i32
  }
}

</mosaic_0001>

<sc_bundles>
// kernel: kernel.11.cloned.1.call-start
scs
__scs_entry_jumppad:
0x0: {  	(pc) =	sbr.rel $0x88, $3  }
0x1: {  	(tag) =	ssettag $0x0;
	lr =	simm.s32 $0x1  }
0x2: {  	[smem:$0x3F81] =	sst lr;
	_ =	strace $0xD0000000  }
0x3: {  	_ = 	snop  }
0x4: {  	_ = 	snop  }
0x5: {  	_ = 	snop  }
0x6: {  	_ = 	snop  }
0x7: {  	_ = 	snop  }
__scs_overlays_trampoline_lowered:
0x8: {  	[smem:$0x3F90] =	sst s0  }
0x9: {  	[smem:$0x3F91] =	sst s1  }
0xa: {  	[smem:$0x3F92] =	sst s2  }
0xb: {  	[smem:$0x3F93] =	sst s3  }
0xc: {  	[smem:$0x3F94] =	sst s4  }
0xd: {  	[smem:$0x3F95] =	sst s5  }
0xe: {  	[smem:$0x3F96] =	sst s6  }
0xf: {  	[smem:$0x3F97] =	sst s7  }
0x10: {  	[smem:$0x3F98] =	sst s8  }
0x11: {  	[smem:$0x3F99] =	sst s9;
	s0 =	simm.s32 @!p0 $0x0  }
0x12: {  	s1 =	sld [smem:$0x3F7F];
	s0 =	simm.s32 @p0 $0x1  }
0x13: {  	[smem:$0x3F9A] =	sst s0;
	s0 =	simm.s32 @!p1 $0x0  }
0x14: {  	s2 =	sld [smem:$0x3F7E];
	s0 =	simm.s32 @p1 $0x1  }
0x15: {  	[smem:$0x3F9B] =	sst s0;
	s0 =	simm.s32 @!p2 $0x0  }
0x16: {  	s3 =	sld [smem:$0x3FDB];
	s0 =	simm.s32 @p2 $0x1  }
0x17: {  	s4 =	simm.s32 $0x1BF5;
	[smem:$0x3F9D] =	sst s0  }
0x18: {  	s0 =	sld [smem:$0x3F80];
	_ =	swait.ge [sflag:s4], $0x0  }
0x19: {  	s7 =	sld [smem:$0x3F81]  }
0x1a: {  	s8 =	sadd.s32 $0xFFFFE003, lr  }
0x1b: {  	s9 =	sadd.s32 $0xFFFFFEF7, lr;
	s5 =	simm.s32 $0xFFFFFFFF;
	p2 =	slt.u32 s8, $0xFFFFF086  }
0x1c: {  	p1 =	slt.u32 s9, $0xF7A;
	s5 =	simm.s32 @!p2 $0x0  }
0x1d: {  	s5 =	simm.s32 @p1 $0x1;
	p0 =	seq.s32 s7, s2  }
0x1e: {  	s7 =	smul.u32 @!p0 $0xF7A, s2;
	p2 =	seq.s32 @!p0 s5, $0x0  }
0x1f: {  	s9 =	smul.u32 $0xF7A, s1;
	s8 =	simm.s32 @!p0 $0x1BF5;
	p2 =	por !p2, p0  }
0x20: {  	[sflag:s8] =	ssyncset.s32 @!p0 $0xFFFFF086;
	s6 =	sadd.s32 @!p0 s3, s7;
	s7 =	simm.s32 @!p0 $0x108  }
0x21: {  	s3 =	sadd.s32 s3, s9;
	s6 =	sadd.s32 @!p0 $0x88, s6;
	s7 =	simm.s32 @p2 $0x1082  }
0x22: {  	[simem:s7], [sflag:s8] =	dma.local @!p0 [hbm:s6], $0xF7A  }
0x23: {  	s9 =	sor.u32 $0xD0000000, s2;
	s6 =	simm.s32 $0x108;
	_ =	swait.ge @!p0 [sflag:s8], $0x0  }
0x24: {  	s3 =	sadd.s32 $0x88, s3;
	s6 =	simm.s32 @!p1 $0x1082;
	[sflag:s4] =	ssyncset.s32 $0xFFFFF086  }
0x25: {  	[simem:s6], [sflag:s4] =	dma.local [hbm:s3], $0xF7A  }
0x26: {  	[smem:$0x3F81] =	sst s1;
	(tag) =	ssettag s2;
	_ =	strace s9  }
0x27: {  	s1 =	sld [smem:$0x3F91]  }
0x28: {  	s2 =	sld [smem:$0x3F92]  }
0x29: {  	s4 =	sld [smem:$0x3F94]  }
0x2a: {  	p0 =	seq.s32 s5, $0x0;
	s5 =	sld [smem:$0x3F95]  }
0x2b: {  	s6 =	sld [smem:$0x3F96]  }
0x2c: {  	s7 =	sld [smem:$0x3F97]  }
0x2d: {  	s3 =	simm.s32 $0x108;
	s8 =	sld [smem:$0x3F98]  }
0x2e: {  	s3 =	simm.s32 @!p0 $0x1082;
	s9 =	sld [smem:$0x3F99]  }
0x2f: {  	lr =	sadd.s32 s0, s3;
	s0 =	sld [smem:$0x3F90]  }
0x30: {  	s3 =	sld [smem:$0x3F93]  }
0x31: {  	[smem:$0x3F9C] =	sst s10  }
0x32: {  	s10 =	sld [smem:$0x3F9A];
	_ =	sdelay $0x3  }
0x33: {  	p0 =	seq.s32 s10, $0x1;
	s10 =	sld [smem:$0x3F9C];
	_ =	sdelay $0x3  }
0x34: {  	[smem:$0x3F9C] =	sst s10  }
0x35: {  	s10 =	sld [smem:$0x3F9B];
	_ =	sdelay $0x3  }
0x36: {  	p1 =	seq.s32 s10, $0x1;
	s10 =	sld [smem:$0x3F9C];
	_ =	sdelay $0x3  }
0x37: {  	[smem:$0x3F9C] =	sst s10  }
0x38: {  	s10 =	sld [smem:$0x3F9D]  }
0x39: {  	_ = 	snop;
	(pc) =	sbr.ind lr, $3  }
0x3a: {  	_ = 	snop  }
0x3b: {  	_ = 	snop  }
0x3c: {  	p2 =	seq.s32 s10, $0x1;
	s10 =	sld [smem:$0x3F9C]  }
0x3d: {  	_ =	shalt  }
0x3e: {  	_ =	shalt  }
0x3f: {  	_ =	shalt  }
0x40: {  	_ =	shalt  }
0x41: {  	_ =	shalt  }
0x42: {  	_ =	shalt  }
0x43: {  	_ =	shalt  }
0x44: {  	_ =	shalt  }
0x45: {  	_ =	shalt  }
0x46: {  	_ =	shalt  }
0x47: {  	_ =	shalt  }
0x48: {  	_ =	shalt  }
0x49: {  	_ =	shalt  }
0x4a: {  	_ =	shalt  }
0x4b: {  	_ =	shalt  }
0x4c: {  	_ =	shalt  }
0x4d: {  	_ =	shalt  }
0x4e: {  	_ =	shalt  }
0x4f: {  	_ =	shalt  }
0x50: {  	_ =	shalt  }
0x51: {  	_ =	shalt  }
0x52: {  	_ =	shalt  }
0x53: {  	_ =	shalt  }
0x54: {  	_ =	shalt  }
0x55: {  	_ =	shalt  }
0x56: {  	_ =	shalt  }
0x57: {  	_ =	shalt  }
0x58: {  	_ =	shalt  }
0x59: {  	_ =	shalt  }
0x5a: {  	_ =	shalt  }
0x5b: {  	_ =	shalt  }
0x5c: {  	_ =	shalt  }
0x5d: {  	_ =	shalt  }
0x5e: {  	_ =	shalt  }
0x5f: {  	_ =	shalt  }
0x60: {  	_ =	shalt  }
0x61: {  	_ =	shalt  }
0x62: {  	_ =	shalt  }
0x63: {  	_ =	shalt  }
0x64: {  	_ =	shalt  }
0x65: {  	_ =	shalt  }
0x66: {  	_ =	shalt  }
0x67: {  	_ =	shalt  }
0x68: {  	_ =	shalt  }
0x69: {  	_ =	shalt  }
0x6a: {  	_ =	shalt  }
0x6b: {  	_ =	shalt  }
0x6c: {  	_ =	shalt  }
0x6d: {  	_ =	shalt  }
0x6e: {  	_ =	shalt  }
0x6f: {  	_ =	shalt  }
0x70: {  	_ =	shalt  }
0x71: {  	_ =	shalt  }
0x72: {  	_ =	shalt  }
0x73: {  	_ =	shalt  }
0x74: {  	_ =	shalt  }
0x75: {  	_ =	shalt  }
0x76: {  	_ =	shalt  }
0x77: {  	_ =	shalt  }
0x78: {  	_ =	shalt  }
0x79: {  	_ =	shalt  }
0x7a: {  	_ =	shalt  }
0x7b: {  	_ =	shalt  }
0x7c: {  	_ =	shalt  }
0x7d: {  	_ =	shalt  }
0x7e: {  	_ =	shalt  }
0x7f: {  	_ =	shalt  }
0x80: {  	_ =	shalt  }
0x81: {  	_ =	shalt  }
0x82: {  	_ =	shalt  }
0x83: {  	_ =	shalt  }
0x84: {  	_ =	shalt  }
0x85: {  	_ =	shalt  }
0x86: {  	_ =	shalt  }
0x87: {  	_ =	shalt  }
.Lfunc_end0:
.L_simem_size_0:
called_computation.1_lowered:
.L_overlay_start_0:
0x88: {  	s2 =	sld [smem:$0x3FD9]  }
0x89: {  	s3 =	sld [smem:$0x3FFE];
	_ =	sdelay $0x1  }
0x8a: {  	s1 =	srdreg.scid  }
0x8b: {  	s0 =	sand.u32 $0x1, s1  }
0x8c: {  	s14 =	sshll.u32 s0, $0xA;
	s2 =	sadd.s32 s3, s2  }
0x8d: {  	s2 =	sadd.s32 s2, s14  }
0x8e: {  	[smem:$0x3FA8] =	sst s2  }
0x8f: {  	_ = 	snop  }
0x90: {  	s2 =	sld [smem:$0x3FD0];
	_ =	sdelay $0x2  }
0x91: {  	s15 =	simm.s32 $0xB;
	s4 =	simm.s32 $0x10  }
0x92: {  	[smem:s4], [sflag:s15] =	dma.local [hbm:s2], $0x1  }
0x93: {  	_ =	swait.eq [sflag:s15], $0x1  }
0x94: {  	[sflag:s15] =	ssyncset.done $0x0  }
0x95: {  	[sflag:s15] =	ssyncadd.s32 $0xFFFFFFFF  }
0x96: {  	s16 =	sld [smem:$0x10];
	(tm) =	ssettm $0x1  }
0x97: {  	s17 =	sld [smem:$0x3FFB];
	_ =	sdelay $0x3  }
0x98: {  	_ =	strace s17  }
0x99: {  	s3 =	sld [smem:$0x3FFC];
	_ =	sdelay $0x3  }
0x9a: {  	_ =	strace s3  }
0x9b: {  	s3 =	sld [smem:$0x3FFD];
	_ =	sdelay $0x3  }
0x9c: {  	_ =	strace s3  }
0x9d: {  	_ =	strace $0x8FFFFFFF  }
0x9e: {  	s18 =	sld [smem:$0x3FDB];
	_ =	sdelay $0x1  }
0x9f: {  	s19 =	simm.s32 $_scs_section_size  }
0xa0: {  	s5 =	simm.s32 $_size__tile_overlayer_lowered;
	s6 =	simm.s32 $_tile_overlayer_lowered  }
0xa1: {  	s22 =	simm.s32 $0x1BFF;
	s21 =	sshll.u32 s6, $0x1;
	s3 =	sadd.s32 s19, s18  }
0xa2: {  	s7 =	simm.s32 $0x0;
	s20 =	sshll.u32 s5, $0x1;
	s5 =	sadd.s32 s21, s3  }
0xa3: {  	[timem:s7], [sflag:s22] =	dma.local [hbm:s5], s20  }
0xa4: {  	_ =	swait.ge [sflag:s22], s20  }
0xa5: {  	s4 =	ssub.s32 $0x0, s20;
	[sflag:s22] =	ssyncset.done $0x0  }
0xa6: {  	[sflag:s22] =	ssyncadd.s32 s4;
	_ =	sdelay $0x1  }
0xa7: {  	s23 =	simm.s32 $0x1B8B  }
0xa8: {  	_ =	swait.ge [sflag:s23], $0x1  }
0xa9: {  	[sflag:s23] =	ssyncset.done $0x0  }
0xaa: {  	s25 =	simm.s32 $0x1B8E;
	s24 =	sld [smem:$0x3FFE];
	[sflag:s23] =	ssyncadd.s32 $0xFFFFFFFF  }
0xab: {  	s26 =	simm.s32 $execute0_lowered;
	[smem:$0x3FD2] =	sst s25  }
0xac: {  	s5 =	sshll.u32 s26, $0x1;
	_ =	strace $0x80000046;
	[dreg:$0x1] =	wrdreg $0xFFFFFFFF  }
0xad: {  	s28 =	simm.s32 $_size_execute0_lowered;
	s3 =	sadd.s32 s3, s5;
	[dreg:$0x0] =	wrdreg $0x0  }
0xae: {  	s5 =	sshll.u32 s28, $0x1;
	[dreg:$0x2] =	wrdreg s3  }
0xaf: {  	[dreg:$0x3] =	wrdreg s5  }
0xb0: {  	[dreg:$0x4] =	wrdreg $0xC0  }
0xb1: {  	_ =	task [dreg:s7], $0x5FFFF  }
0xb2: {  	[dreg:$0x1] =	wrdreg $0xFFFFFFFF  }
0xb3: {  	[dreg:$0x0] =	wrdreg $0x60  }
0xb4: {  	[dreg:$0x2] =	wrdreg s24  }
0xb5: {  	[dreg:$0x3] =	wrdreg s16  }
0xb6: {  	[dreg:$0x4] =	wrdreg $0xA  }
0xb7: {  	_ =	task.clear_ibuf [dreg:s7], $0x5FFFF;
	_ =	strace $0x90000046  }
0xb8: {  	s29 =	simm.s32 $0xA;
	_ =	strace $0x80000048  }
0xb9: {  	_ =	swait.ge [sflag:s29], $0x1  }
0xba: {  	[sflag:s29] =	ssyncadd.s32 $0xFFFFFFFF  }
0xbb: {  	_ =	strace $0x90000048  }
0xbc: {  	_ =	sfence  }
0xbd: {  	s30 =	sld [smem:$0x0];
	_ =	sdelay $0x2  }
0xbe: {  	s31 =	sshll.u32 s1, $0xD;
	s1 =	sshrl.u32 s1, $0x2  }
0xbf: {  	s3 =	sand.u32 $0x4000, s31;
	s1 =	sadd.s32 s1, s30  }
0xc0: {  	s0 =	sor.u32 s3, s0;
	s1 =	sshll.u32 s1, $0x11  }
0xc1: {  	s0 =	sor.u32 s1, s0  }
0xc2: {  	s0 =	sadd.s32 $0x8F2B, s0  }
0xc3: {  	[sflag:s0] =	ssyncadd.remote.s32 $0x1  }
0xc4: {  	_ =	sfence.sel $0xFFFF  }
0xc5: {  	[dreg:$0x0] =	wrdreg $0xFFFFFFFF;
	(pc) =	sbr.abs _section_cstart, $3  }
0xc6: {  	[dreg:$0x1] =	wrdreg $0xFFFFFFFF  }
0xc7: {  	_ =	task.clear_ibuf [dreg:s7], $0x2FFFF;
	_ =	strace $0x9FFFFFFF  }
0xc8: {  	(tm) =	ssettm $0x7FFFFFFF  }
0xc9: {  	_ =	shalt  }
tec
execute0_lowered:
.L_overlay_start_1:
0x0: {  	(tag) =	ssettag $0x1  }
0x1: {  	s0 =	rddreg [dreg:$0x0]  }
0x2: {  	s1 =	rddreg [dreg:$0x1]  }
0x3: {  	s7 =	stileid.u32;
	s2 =	srdreg.scid  }
0x4: {  	s11 =	simm.s32 $0x1000;
	s12 =	simm.s32 $0x1800;
	s13 =	simm.s32 $0x2000  }
0x5: {  	s15 =	simm.s32 $0x2800;
	s4 =	sand.u32 $0x1, s2;
	s2 =	simm.s32 $0x0  }
0x6: {  	s16 =	simm.s32 $0x3000;
	s17 =	simm.s32 $0x3800;
	[smem:$0x7FF] =	sst s2  }
0x7: {  	s19 =	simm.s32 $0x4000;
	_ =	strace $0x80000047;
	[dreg:$0x4] =	wrdreg s11  }
0x8: {  	s20 =	simm.s32 $0x4800;
	s21 =	simm.s32 $0x5000;
	[dreg:$0x5] =	wrdreg s12  }
0x9: {  	s22 =	simm.s32 $0x5800;
	s24 =	simm.s32 $0x6000;
	[dreg:$0x6] =	wrdreg s13  }
0xa: {  	s25 =	simm.s32 $0x6800;
	s26 =	simm.s32 $0x7000;
	[dreg:$0x7] =	wrdreg s15  }
0xb: {  	s8 =	simm.s32 $0x7800;
	s9 =	simm.s32 $0x8000;
	[dreg:$0x8] =	wrdreg s16  }
0xc: {  	s10 =	simm.s32 $0x8800;
	s28 =	simm.s32 $0x2;
	[dreg:$0x9] =	wrdreg s17  }
0xd: {  	s29 =	simm.s32 $0x3;
	s30 =	simm.s32 $0x4;
	[dreg:$0xa] =	wrdreg s19  }
0xe: {  	s31 =	simm.s32 $0x0;
	s3 =	sshll.u32 s7, $0x11;
	[dreg:$0xb] =	wrdreg s20  }
0xf: {  	s18 =	sshll.u32 s7, $0x9;
	s7 =	simm.s32 $0x800;
	[dreg:$0xc] =	wrdreg s21  }
0x10: {  	s3 =	sadd.s32 s3, s0;
	s5 =	sshll.u32 s4, $0x10;
	[dreg:$0xd] =	wrdreg s22  }
0x11: {  	s14 =	ssub.s32 $0x2, s4;
	s4 =	sshll.u32 s4, $0x8;
	[dreg:$0xe] =	wrdreg s24  }
0x12: {  	s3 =	sadd.s32 s5, s3;
	s6 =	sshrl.u32 s14, $0x1;
	[dreg:$0xf] =	wrdreg s25  }
0x13: {  	s4 =	sor.u32 s4, s18;
	[dreg:$0x10] =	wrdreg s26;
	s11 =	simm.s32 $0x9000  }
0x14: {  	s12 =	simm.s32 $0x9800;
	s13 =	simm.s32 $0xA000;
	s15 =	simm.s32 $0xB000  }
0x15: {  	s16 =	simm.s32 $0xB800;
	s17 =	simm.s32 $0xC000;
	s18 =	simm.s32 $0xC800  }
0x16: {  	s19 =	simm.s32 $0xD000;
	s20 =	simm.s32 $0xD800;
	s21 =	simm.s32 $0xE000  }
0x17: {  	s22 =	simm.s32 $0xE800;
	s24 =	simm.s32 $0xF800;
	s25 =	simm.s32 $0x10000  }
0x18: {  	s26 =	simm.s32 $0x1;
	s3 =	sadd.s32 $0x62E00, s3;
	s5 =	ssub.s32 s14, s6  }
0x19: {  	v2 =	vlaneseq.u32;
	s1 =	sadd.s32 s1, s4;
	s6 =	simm.s32 $0x5;
	[dreg:$0x3] =	wrdreg s3  }
0x1a: {  	vm0 =	vmmov $0xffff;
	v1 =	vshrl.u32 v2, $0x3;
	s14 =	simm.s32 $0xA800;
	[dreg:$0x11] =	wrdreg s1;
	s23 =	smax.u32 s5, $0x1  }
0x1b: {  	v0 =	vand.u32 $0x7, v2;
	v2 =	vor.u32 $0x8, v2;
	v1 =	vmul.u32 $0x8, v1;
	s3 =	sadd.s32 $0x6C00, s0;
	[dreg:$0x12] =	wrdreg s23;
	s23 =	simm.s32 $0xF000  }
.LBB2_1:
0x1c: {  	s0 =	rddreg [dreg:$0x11]  }
0x1d: {  	[tilespmem:s2], [sflag:$0x5] =	stream.linear.gather [hbm4b:s0+s2], $0x800, $0x38;
	[tilespmem:$0x10800] =	vst v63  }
0x1e: {  	_ =	swait.ge [sflag:s6], $0x800  }
0x1f: {  	[sflag:s6] =	ssyncset.done $0x0  }
0x20: {  	s1 =	simm.s32 $0x0;
	s0 =	simm.s32 $0x80;
	[sflag:s6] =	ssyncadd.s32 $0xFFFFF800  }
.LBB2_2:
0x21: {  	v3 =	vld [tilespmem:s0+$0xFFFFFF80];
	_ =	sdelay $0x4  }
0x22: {  	v4 =	vshll.u32 v3, $0x1  }
0x23: {  	v3 =	vand.u32 $0x7, v3;
	v4 =	vand.u32 $0xFFFFFFF0, v4  }
0x24: {  	v3 =	vor.u32 v3, v4  }
0x25: {  	v4 =	vperm.xlane v3, v0;
	_ =	sdelay $0x1  }
0x26: {  	v3 =	vperm.xlane v3, v2;
	v4 =	vadd.s32 v1, v4;
	_ =	sdelay $0x1  }
0x27: {  	v3 =	vadd.s32 v1, v3;
	_ =	sdelay $0x2  }
0x28: {  	[tilespmem:s7], [sflag:$0x1] =	stream.indirect_vreg.gather [hbm4b:s3+s2], $0x80, v4, vm0, $0xb8;
	[tilespmem:$0x10800] =	vst v63  }
0x29: {  	s4 =	rddreg [dreg:$0x4]  }
0x2a: {  	[tilespmem:s4], [sflag:$0x1] =	stream.indirect_vreg.gather [hbm4b:s3+s2], $0x80, v3, vm0, $0xb8;
	[tilespmem:$0x10800] =	vst v63  }
0x2b: {  	v3 =	vld [tilespmem:s0+$0xFFFFFF90];
	_ =	sdelay $0x4  }
0x2c: {  	v49 =	vshll.u32 v3, $0x1  }
0x2d: {  	v3 =	vand.u32 $0x7, v3;
	v4 =	vand.u32 $0xFFFFFFF0, v49  }
0x2e: {  	v3 =	vor.u32 v3, v4  }
0x2f: {  	v4 =	vperm.xlane v3, v0;
	_ =	sdelay $0x1  }
0x30: {  	v3 =	vperm.xlane v3, v2;
	v4 =	vadd.s32 v1, v4;
	_ =	sdelay $0x1  }
0x31: {  	v3 =	vadd.s32 v1, v3;
	_ =	sdelay $0x1  }
0x32: {  	s4 =	rddreg [dreg:$0x5]  }
0x33: {  	[tilespmem:s4], [sflag:$0x1] =	stream.indirect_vreg.gather [hbm4b:s3+s2], $0x80, v4, vm0, $0xb8;
	[tilespmem:$0x10800] =	vst v63  }
0x34: {  	s5 =	rddreg [dreg:$0x6]  }
0x35: {  	[tilespmem:s5], [sflag:$0x1] =	stream.indirect_vreg.gather [hbm4b:s3+s2], $0x80, v3, vm0, $0xb8;
	[tilespmem:$0x10800] =	vst v63  }
0x36: {  	v3 =	vld [tilespmem:s0+$0xFFFFFFA0];
	_ =	sdelay $0x4  }
0x37: {  	v50 =	vshll.u32 v3, $0x1  }
0x38: {  	v3 =	vand.u32 $0x7, v3;
	v4 =	vand.u32 $0xFFFFFFF0, v50  }
0x39: {  	v3 =	vor.u32 v3, v4  }
0x3a: {  	v4 =	vperm.xlane v3, v0;
	_ =	sdelay $0x1  }
0x3b: {  	v3 =	vperm.xlane v3, v2;
	v4 =	vadd.s32 v1, v4;
	_ =	sdelay $0x1  }
0x3c: {  	v3 =	vadd.s32 v1, v3;
	_ =	sdelay $0x1  }
0x3d: {  	s4 =	rddreg [dreg:$0x7]  }
0x3e: {  	[tilespmem:s4], [sflag:$0x1] =	stream.indirect_vreg.gather [hbm4b:s3+s2], $0x80, v4, vm0, $0xb8;
	[tilespmem:$0x10800] =	vst v63  }
0x3f: {  	s5 =	rddreg [dreg:$0x8]  }
0x40: {  	[tilespmem:s5], [sflag:$0x1] =	stream.indirect_vreg.gather [hbm4b:s3+s2], $0x80, v3, vm0, $0xb8;
	[tilespmem:$0x10800] =	vst v63  }
0x41: {  	v3 =	vld [tilespmem:s0+$0xFFFFFFB0];
	_ =	sdelay $0x4  }
0x42: {  	v51 =	vshll.u32 v3, $0x1  }
0x43: {  	v3 =	vand.u32 $0x7, v3;
	v4 =	vand.u32 $0xFFFFFFF0, v51  }
0x44: {  	v3 =	vor.u32 v3, v4  }
0x45: {  	v4 =	vperm.xlane v3, v0;
	_ =	sdelay $0x1  }
0x46: {  	v3 =	vperm.xlane v3, v2;
	v4 =	vadd.s32 v1, v4;
	_ =	sdelay $0x1  }
0x47: {  	v3 =	vadd.s32 v1, v3;
	_ =	sdelay $0x1  }
0x48: {  	s4 =	rddreg [dreg:$0x9]  }
0x49: {  	[tilespmem:s4], [sflag:$0x1] =	stream.indirect_vreg.gather [hbm4b:s3+s2], $0x80, v4, vm0, $0xb8;
	[tilespmem:$0x10800] =	vst v63  }
0x4a: {  	s5 =	rddreg [dreg:$0xa]  }
0x4b: {  	[tilespmem:s5], [sflag:$0x1] =	stream.indirect_vreg.gather [hbm4b:s3+s2], $0x80, v3, vm0, $0xb8;
	[tilespmem:$0x10800] =	vst v63  }
0x4c: {  	v3 =	vld [tilespmem:s0+$0xFFFFFFC0];
	_ =	sdelay $0x4  }
0x4d: {  	v52 =	vshll.u32 v3, $0x1  }
0x4e: {  	v3 =	vand.u32 $0x7, v3;
	v4 =	vand.u32 $0xFFFFFFF0, v52  }
0x4f: {  	v3 =	vor.u32 v3, v4  }
0x50: {  	v4 =	vperm.xlane v3, v0;
	_ =	sdelay $0x1  }
0x51: {  	v3 =	vperm.xlane v3, v2;
	v4 =	vadd.s32 v1, v4;
	_ =	sdelay $0x1  }
0x52: {  	v3 =	vadd.s32 v1, v3;
	_ =	sdelay $0x1  }
0x53: {  	s4 =	rddreg [dreg:$0xb]  }
0x54: {  	[tilespmem:s4], [sflag:$0x1] =	stream.indirect_vreg.gather [hbm4b:s3+s2], $0x80, v4, vm0, $0xb8;
	[tilespmem:$0x10800] =	vst v63  }
0x55: {  	s5 =	rddreg [dreg:$0xc]  }
0x56: {  	[tilespmem:s5], [sflag:$0x1] =	stream.indirect_vreg.gather [hbm4b:s3+s2], $0x80, v3, vm0, $0xb8;
	[tilespmem:$0x10800] =	vst v63  }
0x57: {  	v3 =	vld [tilespmem:s0+$0xFFFFFFD0];
	_ =	sdelay $0x4  }
0x58: {  	v53 =	vshll.u32 v3, $0x1  }
0x59: {  	v3 =	vand.u32 $0x7, v3;
	v4 =	vand.u32 $0xFFFFFFF0, v53  }
0x5a: {  	v3 =	vor.u32 v3, v4  }
0x5b: {  	v4 =	vperm.xlane v3, v0;
	_ =	sdelay $0x1  }
0x5c: {  	v3 =	vperm.xlane v3, v2;
	v4 =	vadd.s32 v1, v4;
	_ =	sdelay $0x1  }
0x5d: {  	v3 =	vadd.s32 v1, v3;
	_ =	sdelay $0x1  }
0x5e: {  	s4 =	rddreg [dreg:$0xd]  }
0x5f: {  	[tilespmem:s4], [sflag:$0x1] =	stream.indirect_vreg.gather [hbm4b:s3+s2], $0x80, v4, vm0, $0xb8;
	[tilespmem:$0x10800] =	vst v63  }
0x60: {  	s5 =	rddreg [dreg:$0xe]  }
0x61: {  	[tilespmem:s5], [sflag:$0x1] =	stream.indirect_vreg.gather [hbm4b:s3+s2], $0x80, v3, vm0, $0xb8;
	[tilespmem:$0x10800] =	vst v63  }
0x62: {  	v3 =	vld [tilespmem:s0+$0xFFFFFFE0];
	_ =	sdelay $0x4  }
0x63: {  	v54 =	vshll.u32 v3, $0x1  }
0x64: {  	v3 =	vand.u32 $0x7, v3;
	v4 =	vand.u32 $0xFFFFFFF0, v54  }
0x65: {  	v3 =	vor.u32 v3, v4  }
0x66: {  	v4 =	vperm.xlane v3, v0;
	_ =	sdelay $0x1  }
0x67: {  	v3 =	vperm.xlane v3, v2;
	v4 =	vadd.s32 v1, v4;
	_ =	sdelay $0x1  }
0x68: {  	v3 =	vadd.s32 v1, v3;
	_ =	sdelay $0x1  }
0x69: {  	s4 =	rddreg [dreg:$0xf]  }
0x6a: {  	[tilespmem:s4], [sflag:$0x1] =	stream.indirect_vreg.gather [hbm4b:s3+s2], $0x80, v4, vm0, $0xb8;
	[tilespmem:$0x10800] =	vst v63  }
0x6b: {  	s5 =	rddreg [dreg:$0x10]  }
0x6c: {  	[tilespmem:s5], [sflag:$0x1] =	stream.indirect_vreg.gather [hbm4b:s3+s2], $0x80, v3, vm0, $0xb8;
	[tilespmem:$0x10800] =	vst v63  }
0x6d: {  	v3 =	vld [tilespmem:s0+$0xFFFFFFF0];
	_ =	sdelay $0x4  }
0x6e: {  	v55 =	vshll.u32 v3, $0x1  }
0x6f: {  	v3 =	vand.u32 $0x7, v3;
	v4 =	vand.u32 $0xFFFFFFF0, v55  }
0x70: {  	v3 =	vor.u32 v3, v4  }
0x71: {  	v4 =	vperm.xlane v3, v0;
	_ =	sdelay $0x1  }
0x72: {  	v3 =	vperm.xlane v3, v2;
	v4 =	vadd.s32 v1, v4;
	_ =	sdelay $0x1  }
0x73: {  	v3 =	vadd.s32 v1, v3;
	_ =	sdelay $0x2  }
0x74: {  	[tilespmem:s8], [sflag:$0x1] =	stream.indirect_vreg.gather [hbm4b:s3+s2], $0x80, v4, vm0, $0xb8;
	[tilespmem:$0x10800] =	vst v63  }
0x75: {  	_ = 	snop  }
0x76: {  	[tilespmem:s9], [sflag:$0x1] =	stream.indirect_vreg.gather [hbm4b:s3+s2], $0x80, v3, vm0, $0xb8;
	[tilespmem:$0x10800] =	vst v63  }
0x77: {  	v3 =	vld [tilespmem:s0+$0x0];
	_ =	sdelay $0x4  }
0x78: {  	v56 =	vshll.u32 v3, $0x1  }
0x79: {  	v3 =	vand.u32 $0x7, v3;
	v4 =	vand.u32 $0xFFFFFFF0, v56  }
0x7a: {  	v3 =	vor.u32 v3, v4  }
0x7b: {  	v4 =	vperm.xlane v3, v0;
	_ =	sdelay $0x1  }
0x7c: {  	v3 =	vperm.xlane v3, v2;
	v4 =	vadd.s32 v1, v4;
	_ =	sdelay $0x1  }
0x7d: {  	v3 =	vadd.s32 v1, v3;
	_ =	sdelay $0x2  }
0x7e: {  	[tilespmem:s10], [sflag:$0x2] =	stream.indirect_vreg.gather [hbm4b:s3+s2], $0x80, v4, vm0, $0xb8;
	[tilespmem:$0x10800] =	vst v63  }
0x7f: {  	_ = 	snop  }
0x80: {  	[tilespmem:s11], [sflag:$0x2] =	stream.indirect_vreg.gather [hbm4b:s3+s2], $0x80, v3, vm0, $0xb8;
	[tilespmem:$0x10800] =	vst v63  }
0x81: {  	v3 =	vld [tilespmem:s0+$0x10];
	_ =	sdelay $0x4  }
0x82: {  	v57 =	vshll.u32 v3, $0x1  }
0x83: {  	v3 =	vand.u32 $0x7, v3;
	v4 =	vand.u32 $0xFFFFFFF0, v57  }
0x84: {  	v3 =	vor.u32 v3, v4  }
0x85: {  	v4 =	vperm.xlane v3, v0;
	_ =	sdelay $0x1  }
0x86: {  	v3 =	vperm.xlane v3, v2;
	v4 =	vadd.s32 v1, v4;
	_ =	sdelay $0x1  }
0x87: {  	v3 =	vadd.s32 v1, v3;
	_ =	sdelay $0x2  }
0x88: {  	[tilespmem:s12], [sflag:$0x2] =	stream.indirect_vreg.gather [hbm4b:s3+s2], $0x80, v4, vm0, $0xb8;
	[tilespmem:$0x10800] =	vst v63  }
0x89: {  	_ = 	snop  }
0x8a: {  	[tilespmem:s13], [sflag:$0x2] =	stream.indirect_vreg.gather [hbm4b:s3+s2], $0x80, v3, vm0, $0xb8;
	[tilespmem:$0x10800] =	vst v63  }
0x8b: {  	v3 =	vld [tilespmem:s0+$0x20];
	_ =	sdelay $0x4  }
0x8c: {  	v58 =	vshll.u32 v3, $0x1  }
0x8d: {  	v3 =	vand.u32 $0x7, v3;
	v4 =	vand.u32 $0xFFFFFFF0, v58  }
0x8e: {  	v3 =	vor.u32 v3, v4  }
0x8f: {  	v4 =	vperm.xlane v3, v0;
	_ =	sdelay $0x1  }
0x90: {  	v3 =	vperm.xlane v3, v2;
	v4 =	vadd.s32 v1, v4;
	_ =	sdelay $0x1  }
0x91: {  	v3 =	vadd.s32 v1, v3;
	_ =	sdelay $0x2  }
0x92: {  	[tilespmem:s14], [sflag:$0x2] =	stream.indirect_vreg.gather [hbm4b:s3+s2], $0x80, v4, vm0, $0xb8;
	[tilespmem:$0x10800] =	vst v63  }
0x93: {  	_ = 	snop  }
0x94: {  	[tilespmem:s15], [sflag:$0x2] =	stream.indirect_vreg.gather [hbm4b:s3+s2], $0x80, v3, vm0, $0xb8;
	[tilespmem:$0x10800] =	vst v63  }
0x95: {  	v3 =	vld [tilespmem:s0+$0x30];
	_ =	sdelay $0x4  }
0x96: {  	v59 =	vshll.u32 v3, $0x1  }
0x97: {  	v3 =	vand.u32 $0x7, v3;
	v4 =	vand.u32 $0xFFFFFFF0, v59  }
0x98: {  	v3 =	vor.u32 v3, v4  }
0x99: {  	v4 =	vperm.xlane v3, v0;
	_ =	sdelay $0x1  }
0x9a: {  	v3 =	vperm.xlane v3, v2;
	v4 =	vadd.s32 v1, v4;
	_ =	sdelay $0x1  }
0x9b: {  	v3 =	vadd.s32 v1, v3;
	_ =	sdelay $0x2  }
0x9c: {  	[tilespmem:s16], [sflag:$0x2] =	stream.indirect_vreg.gather [hbm4b:s3+s2], $0x80, v4, vm0, $0xb8;
	[tilespmem:$0x10800] =	vst v63  }
0x9d: {  	_ = 	snop  }
0x9e: {  	[tilespmem:s17], [sflag:$0x2] =	stream.indirect_vreg.gather [hbm4b:s3+s2], $0x80, v3, vm0, $0xb8;
	[tilespmem:$0x10800] =	vst v63  }
0x9f: {  	v3 =	vld [tilespmem:s0+$0x40];
	_ =	sdelay $0x4  }
0xa0: {  	v60 =	vshll.u32 v3, $0x1  }
0xa1: {  	v3 =	vand.u32 $0x7, v3;
	v4 =	vand.u32 $0xFFFFFFF0, v60  }
0xa2: {  	v3 =	vor.u32 v3, v4  }
0xa3: {  	v4 =	vperm.xlane v3, v0;
	_ =	sdelay $0x1  }
0xa4: {  	v3 =	vperm.xlane v3, v2;
	v4 =	vadd.s32 v1, v4;
	_ =	sdelay $0x1  }
0xa5: {  	v3 =	vadd.s32 v1, v3;
	_ =	sdelay $0x2  }
0xa6: {  	[tilespmem:s18], [sflag:$0x2] =	stream.indirect_vreg.gather [hbm4b:s3+s2], $0x80, v4, vm0, $0xb8;
	[tilespmem:$0x10800] =	vst v63  }
0xa7: {  	_ = 	snop  }
0xa8: {  	[tilespmem:s19], [sflag:$0x2] =	stream.indirect_vreg.gather [hbm4b:s3+s2], $0x80, v3, vm0, $0xb8;
	[tilespmem:$0x10800] =	vst v63  }
0xa9: {  	v3 =	vld [tilespmem:s0+$0x50];
	_ =	sdelay $0x4  }
0xaa: {  	v61 =	vshll.u32 v3, $0x1  }
0xab: {  	v3 =	vand.u32 $0x7, v3;
	v4 =	vand.u32 $0xFFFFFFF0, v61  }
0xac: {  	v3 =	vor.u32 v3, v4  }
0xad: {  	v4 =	vperm.xlane v3, v0;
	_ =	sdelay $0x1  }
0xae: {  	v3 =	vperm.xlane v3, v2;
	v4 =	vadd.s32 v1, v4;
	_ =	sdelay $0x1  }
0xaf: {  	v3 =	vadd.s32 v1, v3;
	_ =	sdelay $0x2  }
0xb0: {  	[tilespmem:s20], [sflag:$0x2] =	stream.indirect_vreg.gather [hbm4b:s3+s2], $0x80, v4, vm0, $0xb8;
	[tilespmem:$0x10800] =	vst v63  }
0xb1: {  	_ = 	snop  }
0xb2: {  	[tilespmem:s21], [sflag:$0x2] =	stream.indirect_vreg.gather [hbm4b:s3+s2], $0x80, v3, vm0, $0xb8;
	[tilespmem:$0x10800] =	vst v63  }
0xb3: {  	v3 =	vld [tilespmem:s0+$0x60];
	_ =	sdelay $0x4  }
0xb4: {  	v62 =	vshll.u32 v3, $0x1  }
0xb5: {  	v3 =	vand.u32 $0x7, v3;
	v4 =	vand.u32 $0xFFFFFFF0, v62  }
0xb6: {  	v3 =	vor.u32 v3, v4  }
0xb7: {  	v4 =	vperm.xlane v3, v0;
	_ =	sdelay $0x1  }
0xb8: {  	v3 =	vperm.xlane v3, v2;
	v4 =	vadd.s32 v1, v4;
	_ =	sdelay $0x1  }
0xb9: {  	v3 =	vadd.s32 v1, v3;
	_ =	sdelay $0x2  }
0xba: {  	[tilespmem:s22], [sflag:$0x2] =	stream.indirect_vreg.gather [hbm4b:s3+s2], $0x80, v4, vm0, $0xb8;
	[tilespmem:$0x10800] =	vst v63  }
0xbb: {  	_ = 	snop  }
0xbc: {  	[tilespmem:s23], [sflag:$0x2] =	stream.indirect_vreg.gather [hbm4b:s3+s2], $0x80, v3, vm0, $0xb8;
	[tilespmem:$0x10800] =	vst v63  }
0xbd: {  	v3 =	vld [tilespmem:s0+$0x70];
	_ =	sdelay $0x4  }
0xbe: {  	v63 =	vshll.u32 v3, $0x1  }
0xbf: {  	v3 =	vand.u32 $0x7, v3;
	v4 =	vand.u32 $0xFFFFFFF0, v63  }
0xc0: {  	v3 =	vor.u32 v3, v4  }
0xc1: {  	v4 =	vperm.xlane v3, v0;
	_ =	sdelay $0x1  }
0xc2: {  	v3 =	vperm.xlane v3, v2;
	v4 =	vadd.s32 v1, v4;
	_ =	sdelay $0x1  }
0xc3: {  	v3 =	vadd.s32 v1, v3;
	_ =	sdelay $0x2  }
0xc4: {  	[tilespmem:s24], [sflag:$0x2] =	stream.indirect_vreg.gather [hbm4b:s3+s2], $0x80, v4, vm0, $0xb8;
	[tilespmem:$0x10800] =	vst v63  }
0xc5: {  	_ = 	snop  }
0xc6: {  	[tilespmem:s25], [sflag:$0x2] =	stream.indirect_vreg.gather [hbm4b:s3+s2], $0x80, v3, vm0, $0xb8;
	[tilespmem:$0x10800] =	vst v63  }
0xc7: {  	_ =	swait.ge [sflag:s26], $0x8000  }
0xc8: {  	s5 =	rddreg [dreg:$0x3];
	[sflag:s26] =	ssyncset.done $0x0  }
0xc9: {  	[sflag:s26] =	ssyncadd.s32 $0xFFFF8000;
	s4 =	sadd.s32 s1, s5  }
0xca: {  	[hbm4b:s4+s2] =	stream.linear.scatter [tilespmem:s7], [sflag:$0x3], $0x8000, $0x38;
	[tilespmem:$0x10800] =	vst v63  }
0xcb: {  	_ =	swait.ge [sflag:s28], $0x8000  }
0xcc: {  	[sflag:s28] =	ssyncset.done $0x0  }
0xcd: {  	s4 =	sadd.s32 $0x1000, s4;
	[sflag:s28] =	ssyncadd.s32 $0xFFFF8000  }
0xce: {  	[hbm4b:s4+s2] =	stream.linear.scatter [tilespmem:s10], [sflag:$0x4], $0x8000, $0x38;
	[tilespmem:$0x10800] =	vst v63  }
0xcf: {  	p0 =	sne.s32 s1, $0xE000;
	_ =	swait.ge [sflag:s29], $0x8000  }
.Ltmp0:
0xd0: {  	[sflag:s29] =	ssyncset.done $0x0;
	(pc) =	sbr.rel @p0 .LBB2_2-.Ltmp0, $4  }
0xd1: {  	[sflag:s29] =	ssyncadd.s32 $0xFFFF8000  }
0xd2: {  	_ =	swait.ge [sflag:s30], $0x8000  }
0xd3: {  	[sflag:s30] =	ssyncset.done $0x0  }
0xd4: {  	s0 =	sadd.s32 $0x100, s0;
	s1 =	sadd.s32 $0x2000, s1;
	[sflag:s30] =	ssyncadd.s32 $0xFFFF8000  }
0xd5: {  	s31 =	sadd.s32 $0x1, s31;
	s0 =	rddreg [dreg:$0x12]  }
0xd6: {  	p0 =	sne.s32 s31, s0  }
.Ltmp1:
0xd7: {  	_ = 	snop;
	(pc) =	sbr.rel @p0 .LBB2_1-.Ltmp1, $1  }
0xd8: {  	_ =	sdelay $0x3  }
0xd9: {  	_ =	sfence.sel $0x180000  }
0xda: {  	[bflag:$0x0] =	sbarrier.arrive $0xFFFF  }
0xdb: {  	_ =	strace $0x90000047  }
0xdc: {  	s0 =	stileid.u32;
	[bflag:$0x2] =	sbarrier.arrive $0xFFFF  }
0xdd: {  	p0 =	sne.s32 s0, $0x0;
	s0 =	rddreg [dreg:$0x2]  }
0xde: {  	s0 =	sadd.s32 @!p0 $0x100000, s0  }
0xdf: {  	[sflag:s0] =	ssyncadd.tile.s32 @!p0 $0x1;
	_ =	shalt  }
.Lfunc_end2:
_tile_overlayer_lowered:
.L_overlay_start_2:
0xe0: {  	(tag) =	ssettag $0x2  }
0xe1: {  	s0 =	rddreg [dreg:$0x0];
	s2 =	stileid.u32  }
0xe2: {  	s1 =	rddreg [dreg:$0x1];
	p0 =	sne.s32 s2, $0x0  }
0xe3: {  	s3 =	rddreg [dreg:$0x2];
	[bflag:$0x3] =	sbarrier.arrive $0xFFFF;
	s2 =	simm.s32 @!p0 $0x1C05  }
0xe4: {  	[timem:s3], [sflag:s2] =	dma.local @!p0 [hbm:s0], s1  }
0xe5: {  	s0 =	simm.s32 @!p0 $0x5  }
0xe6: {  	_ =	swait.ge @!p0 [sflag:s0], s1  }
0xe7: {  	s1 =	ssub.s32 @!p0 $0x0, s1;
	[sflag:s0] =	ssyncset.done @!p0 $0x0  }
0xe8: {  	[sflag:s0] =	ssyncadd.s32 @!p0 s1  }
0xe9: {  	[bflag:$0x3] =	sbarrier.arrive $0xFFFF  }
0xea: {  	_ =	shalt  }

// kernel: kernel.8.cloned.1.call-start
scs
__scs_entry_jumppad:
0x0: {  	(pc) =	sbr.rel $0x88, $3  }
0x1: {  	(tag) =	ssettag $0x0;
	lr =	simm.s32 $0x1  }
0x2: {  	[smem:$0x3F81] =	sst lr;
	_ =	strace $0xD0000000  }
0x3: {  	_ = 	snop  }
0x4: {  	_ = 	snop  }
0x5: {  	_ = 	snop  }
0x6: {  	_ = 	snop  }
0x7: {  	_ = 	snop  }
__scs_overlays_trampoline_lowered:
0x8: {  	[smem:$0x3F90] =	sst s0  }
0x9: {  	[smem:$0x3F91] =	sst s1  }
0xa: {  	[smem:$0x3F92] =	sst s2  }
0xb: {  	[smem:$0x3F93] =	sst s3  }
0xc: {  	[smem:$0x3F94] =	sst s4  }
0xd: {  	[smem:$0x3F95] =	sst s5  }
0xe: {  	[smem:$0x3F96] =	sst s6  }
0xf: {  	[smem:$0x3F97] =	sst s7  }
0x10: {  	[smem:$0x3F98] =	sst s8  }
0x11: {  	[smem:$0x3F99] =	sst s9;
	s0 =	simm.s32 @!p0 $0x0  }
0x12: {  	s1 =	sld [smem:$0x3F7F];
	s0 =	simm.s32 @p0 $0x1  }
0x13: {  	[smem:$0x3F9A] =	sst s0;
	s0 =	simm.s32 @!p1 $0x0  }
0x14: {  	s2 =	sld [smem:$0x3F7E];
	s0 =	simm.s32 @p1 $0x1  }
0x15: {  	[smem:$0x3F9B] =	sst s0;
	s0 =	simm.s32 @!p2 $0x0  }
0x16: {  	s3 =	sld [smem:$0x3FDB];
	s0 =	simm.s32 @p2 $0x1  }
0x17: {  	s4 =	simm.s32 $0x1BF5;
	[smem:$0x3F9D] =	sst s0  }
0x18: {  	s0 =	sld [smem:$0x3F80];
	_ =	swait.ge [sflag:s4], $0x0  }
0x19: {  	s7 =	sld [smem:$0x3F81]  }
0x1a: {  	s8 =	sadd.s32 $0xFFFFE003, lr  }
0x1b: {  	s9 =	sadd.s32 $0xFFFFFEF7, lr;
	s5 =	simm.s32 $0xFFFFFFFF;
	p2 =	slt.u32 s8, $0xFFFFF086  }
0x1c: {  	p1 =	slt.u32 s9, $0xF7A;
	s5 =	simm.s32 @!p2 $0x0  }
0x1d: {  	s5 =	simm.s32 @p1 $0x1;
	p0 =	seq.s32 s7, s2  }
0x1e: {  	s7 =	smul.u32 @!p0 $0xF7A, s2;
	p2 =	seq.s32 @!p0 s5, $0x0  }
0x1f: {  	s9 =	smul.u32 $0xF7A, s1;
	s8 =	simm.s32 @!p0 $0x1BF5;
	p2 =	por !p2, p0  }
0x20: {  	[sflag:s8] =	ssyncset.s32 @!p0 $0xFFFFF086;
	s6 =	sadd.s32 @!p0 s3, s7;
	s7 =	simm.s32 @!p0 $0x108  }
0x21: {  	s3 =	sadd.s32 s3, s9;
	s6 =	sadd.s32 @!p0 $0x88, s6;
	s7 =	simm.s32 @p2 $0x1082  }
0x22: {  	[simem:s7], [sflag:s8] =	dma.local @!p0 [hbm:s6], $0xF7A  }
0x23: {  	s9 =	sor.u32 $0xD0000000, s2;
	s6 =	simm.s32 $0x108;
	_ =	swait.ge @!p0 [sflag:s8], $0x0  }
0x24: {  	s3 =	sadd.s32 $0x88, s3;
	s6 =	simm.s32 @!p1 $0x1082;
	[sflag:s4] =	ssyncset.s32 $0xFFFFF086  }
0x25: {  	[simem:s6], [sflag:s4] =	dma.local [hbm:s3], $0xF7A  }
0x26: {  	[smem:$0x3F81] =	sst s1;
	(tag) =	ssettag s2;
	_ =	strace s9  }
0x27: {  	s1 =	sld [smem:$0x3F91]  }
0x28: {  	s2 =	sld [smem:$0x3F92]  }
0x29: {  	s4 =	sld [smem:$0x3F94]  }
0x2a: {  	p0 =	seq.s32 s5, $0x0;
	s5 =	sld [smem:$0x3F95]  }
0x2b: {  	s6 =	sld [smem:$0x3F96]  }
0x2c: {  	s7 =	sld [smem:$0x3F97]  }
0x2d: {  	s3 =	simm.s32 $0x108;
	s8 =	sld [smem:$0x3F98]  }
0x2e: {  	s3 =	simm.s32 @!p0 $0x1082;
	s9 =	sld [smem:$0x3F99]  }
0x2f: {  	lr =	sadd.s32 s0, s3;
	s0 =	sld [smem:$0x3F90]  }
0x30: {  	s3 =	sld [smem:$0x3F93]  }
0x31: {  	[smem:$0x3F9C] =	sst s10  }
0x32: {  	s10 =	sld [smem:$0x3F9A];
	_ =	sdelay $0x3  }
0x33: {  	p0 =	seq.s32 s10, $0x1;
	s10 =	sld [smem:$0x3F9C];
	_ =	sdelay $0x3  }
0x34: {  	[smem:$0x3F9C] =	sst s10  }
0x35: {  	s10 =	sld [smem:$0x3F9B];
	_ =	sdelay $0x3  }
0x36: {  	p1 =	seq.s32 s10, $0x1;
	s10 =	sld [smem:$0x3F9C];
	_ =	sdelay $0x3  }
0x37: {  	[smem:$0x3F9C] =	sst s10  }
0x38: {  	s10 =	sld [smem:$0x3F9D]  }
0x39: {  	_ = 	snop;
	(pc) =	sbr.ind lr, $3  }
0x3a: {  	_ = 	snop  }
0x3b: {  	_ = 	snop  }
0x3c: {  	p2 =	seq.s32 s10, $0x1;
	s10 =	sld [smem:$0x3F9C]  }
0x3d: {  	_ =	shalt  }
0x3e: {  	_ =	shalt  }
0x3f: {  	_ =	shalt  }
0x40: {  	_ =	shalt  }
0x41: {  	_ =	shalt  }
0x42: {  	_ =	shalt  }
0x43: {  	_ =	shalt  }
0x44: {  	_ =	shalt  }
0x45: {  	_ =	shalt  }
0x46: {  	_ =	shalt  }
0x47: {  	_ =	shalt  }
0x48: {  	_ =	shalt  }
0x49: {  	_ =	shalt  }
0x4a: {  	_ =	shalt  }
0x4b: {  	_ =	shalt  }
0x4c: {  	_ =	shalt  }
0x4d: {  	_ =	shalt  }
0x4e: {  	_ =	shalt  }
0x4f: {  	_ =	shalt  }
0x50: {  	_ =	shalt  }
0x51: {  	_ =	shalt  }
0x52: {  	_ =	shalt  }
0x53: {  	_ =	shalt  }
0x54: {  	_ =	shalt  }
0x55: {  	_ =	shalt  }
0x56: {  	_ =	shalt  }
0x57: {  	_ =	shalt  }
0x58: {  	_ =	shalt  }
0x59: {  	_ =	shalt  }
0x5a: {  	_ =	shalt  }
0x5b: {  	_ =	shalt  }
0x5c: {  	_ =	shalt  }
0x5d: {  	_ =	shalt  }
0x5e: {  	_ =	shalt  }
0x5f: {  	_ =	shalt  }
0x60: {  	_ =	shalt  }
0x61: {  	_ =	shalt  }
0x62: {  	_ =	shalt  }
0x63: {  	_ =	shalt  }
0x64: {  	_ =	shalt  }
0x65: {  	_ =	shalt  }
0x66: {  	_ =	shalt  }
0x67: {  	_ =	shalt  }
0x68: {  	_ =	shalt  }
0x69: {  	_ =	shalt  }
0x6a: {  	_ =	shalt  }
0x6b: {  	_ =	shalt  }
0x6c: {  	_ =	shalt  }
0x6d: {  	_ =	shalt  }
0x6e: {  	_ =	shalt  }
0x6f: {  	_ =	shalt  }
0x70: {  	_ =	shalt  }
0x71: {  	_ =	shalt  }
0x72: {  	_ =	shalt  }
0x73: {  	_ =	shalt  }
0x74: {  	_ =	shalt  }
0x75: {  	_ =	shalt  }
0x76: {  	_ =	shalt  }
0x77: {  	_ =	shalt  }
0x78: {  	_ =	shalt  }
0x79: {  	_ =	shalt  }
0x7a: {  	_ =	shalt  }
0x7b: {  	_ =	shalt  }
0x7c: {  	_ =	shalt  }
0x7d: {  	_ =	shalt  }
0x7e: {  	_ =	shalt  }
0x7f: {  	_ =	shalt  }
0x80: {  	_ =	shalt  }
0x81: {  	_ =	shalt  }
0x82: {  	_ =	shalt  }
0x83: {  	_ =	shalt  }
0x84: {  	_ =	shalt  }
0x85: {  	_ =	shalt  }
0x86: {  	_ =	shalt  }
0x87: {  	_ =	shalt  }
.Lfunc_end0:
.L_simem_size_0:
called_computation_lowered:
.L_overlay_start_0:
0x88: {  	s2 =	sld [smem:$0x3FD9]  }
0x89: {  	s3 =	sld [smem:$0x3FFE];
	_ =	sdelay $0x1  }
0x8a: {  	s1 =	srdreg.scid  }
0x8b: {  	s0 =	sand.u32 $0x1, s1  }
0x8c: {  	s17 =	sshll.u32 s0, $0xA;
	s2 =	sadd.s32 s3, s2  }
0x8d: {  	s2 =	sadd.s32 s2, s17  }
0x8e: {  	[smem:$0x3FA8] =	sst s2  }
0x8f: {  	_ = 	snop  }
0x90: {  	(tm) =	ssettm $0x1  }
0x91: {  	s18 =	sld [smem:$0x3FFB];
	_ =	sdelay $0x3  }
0x92: {  	_ =	strace s18  }
0x93: {  	s2 =	sld [smem:$0x3FFC];
	_ =	sdelay $0x3  }
0x94: {  	_ =	strace s2  }
0x95: {  	s2 =	sld [smem:$0x3FFD];
	_ =	sdelay $0x3  }
0x96: {  	_ =	strace s2  }
0x97: {  	_ =	strace $0x8FFFFFFF  }
0x98: {  	s19 =	sld [smem:$0x3FDB];
	_ =	sdelay $0x1  }
0x99: {  	s20 =	simm.s32 $_scs_section_size  }
0x9a: {  	s4 =	simm.s32 $_size__tile_overlayer_lowered;
	s5 =	simm.s32 $_tile_overlayer_lowered  }
0x9b: {  	s6 =	simm.s32 $0x1BFF;
	s21 =	sshll.u32 s5, $0x1;
	s3 =	sadd.s32 s20, s19  }
0x9c: {  	s22 =	simm.s32 $0x0;
	s4 =	sshll.u32 s4, $0x1;
	s5 =	sadd.s32 s21, s3  }
0x9d: {  	[timem:s22], [sflag:s6] =	dma.local [hbm:s5], s4  }
0x9e: {  	_ =	swait.ge [sflag:s6], s4  }
0x9f: {  	s4 =	ssub.s32 $0x0, s4;
	[sflag:s6] =	ssyncset.done $0x0  }
0xa0: {  	[sflag:s6] =	ssyncadd.s32 s4;
	_ =	sdelay $0x1  }
0xa1: {  	s23 =	simm.s32 $0x1B8B  }
0xa2: {  	_ =	swait.ge [sflag:s23], $0x1  }
0xa3: {  	[sflag:s23] =	ssyncset.done $0x0  }
0xa4: {  	[sflag:s23] =	ssyncadd.s32 $0xFFFFFFFF  }
0xa5: {  	s4 =	sld [smem:$0x0]  }
0xa6: {  	s5 =	sand.u32 $0xFFFFFFFE, s1  }
0xa7: {  	p0 =	sne.s32 s1, s5  }
0xa8: {  	s5 =	sshll.u32 @p0 s5, $0xE  }
0xa9: {  	s5 =	sadd.s32 @p0 $0x11B8D, s5;
	s6 =	sshll.u32 @p0 s4, $0x11  }
0xaa: {  	s5 =	sor.u32 @p0 s6, s5  }
0xab: {  	[sflag:s5] =	ssyncadd.remote.s32 @p0 $0x1;
	_ =	sdelay $0x1  }
0xac: {  	s5 =	simm.s32 @p0 $0x1B8D  }
0xad: {  	_ =	swait.eq @p0 [sflag:s5], $0x1  }
0xae: {  	[sflag:s5] =	ssyncadd.s32 @p0 $0xFFFFFFFF  }
0xaf: {  	s6 =	sshll.u32 @!p0 s1, $0xE  }
0xb0: {  	s6 =	sor.u32 @!p0 $0x4000, s6;
	s5 =	simm.s32 @!p0 $0x1B8D  }
0xb1: {  	s4 =	sshll.u32 @!p0 s4, $0x11;
	s6 =	sadd.s32 @!p0 $0x11B8D, s6;
	_ =	swait.eq @!p0 [sflag:s5], $0x1  }
0xb2: {  	s4 =	sor.u32 @!p0 s4, s6;
	[sflag:s5] =	ssyncadd.s32 @!p0 $0xFFFFFFFF  }
0xb3: {  	s25 =	simm.s32 $0x1B8E;
	s24 =	sld [smem:$0x3FFE];
	[sflag:s4] =	ssyncadd.remote.s32 @!p0 $0x1  }
0xb4: {  	s26 =	simm.s32 $execute0_lowered;
	[smem:$0x3FD2] =	sst s25  }
0xb5: {  	s5 =	sshll.u32 s26, $0x1;
	_ =	strace $0x80000049;
	[dreg:$0x1] =	wrdreg $0xFFFFFFFF  }
0xb6: {  	s28 =	simm.s32 $_size_execute0_lowered;
	s3 =	sadd.s32 s3, s5;
	[dreg:$0x0] =	wrdreg $0x0  }
0xb7: {  	s5 =	sshll.u32 s28, $0x1;
	[dreg:$0x2] =	wrdreg s3  }
0xb8: {  	[dreg:$0x3] =	wrdreg s5  }
0xb9: {  	[dreg:$0x4] =	wrdreg $0xC0  }
0xba: {  	_ =	task [dreg:s22], $0x5FFFF  }
0xbb: {  	[dreg:$0x1] =	wrdreg $0xFFFFFFFF  }
0xbc: {  	[dreg:$0x0] =	wrdreg $0x60  }
0xbd: {  	[dreg:$0x2] =	wrdreg s24  }
0xbe: {  	[dreg:$0x3] =	wrdreg $0x9  }
0xbf: {  	_ =	task.clear_ibuf [dreg:s22], $0x4FFFF;
	_ =	strace $0x90000049  }
0xc0: {  	s29 =	simm.s32 $0x9;
	_ =	strace $0x8000004B  }
0xc1: {  	_ =	swait.ge [sflag:s29], $0x1  }
0xc2: {  	[sflag:s29] =	ssyncadd.s32 $0xFFFFFFFF  }
0xc3: {  	_ =	strace $0x9000004B  }
0xc4: {  	_ =	sfence  }
0xc5: {  	s30 =	sld [smem:$0x0];
	_ =	sdelay $0x2  }
0xc6: {  	s31 =	sshll.u32 s1, $0xD;
	s1 =	sshrl.u32 s1, $0x2  }
0xc7: {  	s4 =	sand.u32 $0x4000, s31;
	s1 =	sadd.s32 s1, s30  }
0xc8: {  	s0 =	sor.u32 s4, s0;
	s1 =	sshll.u32 s1, $0x11  }
0xc9: {  	s0 =	sor.u32 s1, s0  }
0xca: {  	s0 =	sadd.s32 $0x8F2B, s0  }
0xcb: {  	[sflag:s0] =	ssyncadd.remote.s32 $0x1  }
0xcc: {  	_ =	sfence.sel $0xFFFF  }
0xcd: {  	[dreg:$0x0] =	wrdreg $0xFFFFFFFF;
	(pc) =	sbr.abs _section_cstart, $3  }
0xce: {  	[dreg:$0x1] =	wrdreg $0xFFFFFFFF  }
0xcf: {  	_ =	task.clear_ibuf [dreg:s22], $0x2FFFF;
	_ =	strace $0x9FFFFFFF  }
0xd0: {  	(tm) =	ssettm $0x7FFFFFFF  }
0xd1: {  	_ =	shalt  }
tec
execute0_lowered:
.L_overlay_start_1:
0x0: {  	(tag) =	ssettag $0x1  }
0x1: {  	s0 =	rddreg [dreg:$0x0]  }
0x2: {  	s1 =	srdreg.scid;
	s5 =	stileid.u32;
	s2 =	simm.s32 $0x0  }
0x3: {  	s13 =	simm.s32 $0x1000;
	s14 =	simm.s32 $0x1800;
	s15 =	simm.s32 $0x2000  }
0x4: {  	s16 =	simm.s32 $0x2800;
	s17 =	simm.s32 $0x3000;
	[smem:$0x7FF] =	sst s2  }
0x5: {  	s18 =	simm.s32 $0x3800;
	_ =	strace $0x8000004A;
	[dreg:$0x3] =	wrdreg s13  }
0x6: {  	s19 =	simm.s32 $0x4000;
	s21 =	simm.s32 $0x4800;
	[dreg:$0x4] =	wrdreg s14  }
0x7: {  	s22 =	simm.s32 $0x5000;
	s23 =	simm.s32 $0x5800;
	[dreg:$0x5] =	wrdreg s15  }
0x8: {  	s24 =	simm.s32 $0x6000;
	s25 =	simm.s32 $0x6800;
	[dreg:$0x6] =	wrdreg s16  }
0x9: {  	s7 =	simm.s32 $0x800;
	s26 =	simm.s32 $0x7000;
	[dreg:$0x7] =	wrdreg s17  }
0xa: {  	s8 =	simm.s32 $0x7800;
	s9 =	simm.s32 $0x8000;
	[dreg:$0x8] =	wrdreg s18  }
0xb: {  	s10 =	simm.s32 $0x8800;
	s11 =	simm.s32 $0x9000;
	[dreg:$0x9] =	wrdreg s19  }
0xc: {  	s12 =	simm.s32 $0x9800;
	s28 =	simm.s32 $0x2;
	[dreg:$0xa] =	wrdreg s21  }
0xd: {  	s29 =	simm.s32 $0x3;
	s30 =	simm.s32 $0x4;
	[dreg:$0xb] =	wrdreg s22  }
0xe: {  	s31 =	simm.s32 $0x0;
	s1 =	sand.u32 $0x1, s1;
	[dreg:$0xc] =	wrdreg s23  }
0xf: {  	s3 =	sshll.u32 s5, $0x11;
	s5 =	sshll.u32 s5, $0x9;
	[dreg:$0xd] =	wrdreg s24  }
0x10: {  	s3 =	sadd.s32 s3, s0;
	s4 =	sshll.u32 s1, $0x10;
	[dreg:$0xe] =	wrdreg s25  }
0x11: {  	s6 =	sshll.u32 s1, $0x8;
	s1 =	ssub.s32 $0x2, s1;
	[dreg:$0xf] =	wrdreg s26  }
0x12: {  	s13 =	simm.s32 $0xA000;
	s14 =	simm.s32 $0xA800;
	s15 =	simm.s32 $0xB000  }
0x13: {  	s16 =	simm.s32 $0xB800;
	s17 =	simm.s32 $0xC000;
	s18 =	simm.s32 $0xC800  }
0x14: {  	s19 =	simm.s32 $0xD000;
	s21 =	simm.s32 $0xE000;
	s22 =	simm.s32 $0xE800  }
0x15: {  	s23 =	simm.s32 $0xF000;
	s24 =	simm.s32 $0xF800;
	s3 =	sadd.s32 s4, s3  }
0x16: {  	s25 =	simm.s32 $0x10000;
	s20 =	sshrl.u32 s1, $0x1;
	s3 =	sadd.s32 $0x282E00, s3  }
0x17: {  	s5 =	sor.u32 s6, s5;
	s1 =	ssub.s32 s1, s20;
	[dreg:$0x2] =	wrdreg s3  }
0x18: {  	v2 =	vlaneseq.u32;
	s3 =	sadd.s32 $0x262E00, s0;
	s0 =	sadd.s32 s5, s0;
	s1 =	smax.u32 s1, $0x1  }
0x19: {  	vm0 =	vmmov $0xffff;
	v1 =	vshrl.u32 v2, $0x3;
	s26 =	simm.s32 $0x1;
	s0 =	sadd.s32 $0x36C00, s0;
	[dreg:$0x11] =	wrdreg s1  }
0x1a: {  	v0 =	vand.u32 $0x7, v2;
	v2 =	vor.u32 $0x8, v2;
	v1 =	vmul.u32 $0x8, v1;
	s6 =	simm.s32 $0x5;
	s20 =	simm.s32 $0xD800;
	[dreg:$0x10] =	wrdreg s0  }
.LBB2_1:
0x1b: {  	s0 =	rddreg [dreg:$0x10]  }
0x1c: {  	[tilespmem:s2], [sflag:$0x5] =	stream.linear.gather [hbm4b:s0+s2], $0x800, $0x38;
	[tilespmem:$0x10800] =	vst v63  }
0x1d: {  	_ =	swait.ge [sflag:s6], $0x800  }
0x1e: {  	[sflag:s6] =	ssyncset.done $0x0  }
0x1f: {  	s1 =	simm.s32 $0x0;
	s0 =	simm.s32 $0x80;
	[sflag:s6] =	ssyncadd.s32 $0xFFFFF800  }
.LBB2_2:
0x20: {  	v3 =	vld [tilespmem:s0+$0xFFFFFF80];
	_ =	sdelay $0x4  }
0x21: {  	v4 =	vshll.u32 v3, $0x1  }
0x22: {  	v3 =	vand.u32 $0x7, v3;
	v4 =	vand.u32 $0xFFFFFFF0, v4  }
0x23: {  	v3 =	vor.u32 v3, v4  }
0x24: {  	v4 =	vperm.xlane v3, v0;
	_ =	sdelay $0x1  }
0x25: {  	v3 =	vperm.xlane v3, v2;
	v4 =	vadd.s32 v1, v4;
	_ =	sdelay $0x1  }
0x26: {  	v3 =	vadd.s32 v1, v3;
	_ =	sdelay $0x2  }
0x27: {  	[tilespmem:s7], [sflag:$0x1] =	stream.indirect_vreg.gather [hbm4b:s3+s2], $0x80, v4, vm0, $0xb8;
	[tilespmem:$0x10800] =	vst v63  }
0x28: {  	s4 =	rddreg [dreg:$0x3]  }
0x29: {  	[tilespmem:s4], [sflag:$0x1] =	stream.indirect_vreg.gather [hbm4b:s3+s2], $0x80, v3, vm0, $0xb8;
	[tilespmem:$0x10800] =	vst v63  }
0x2a: {  	v3 =	vld [tilespmem:s0+$0xFFFFFF90];
	_ =	sdelay $0x4  }
0x2b: {  	v49 =	vshll.u32 v3, $0x1  }
0x2c: {  	v3 =	vand.u32 $0x7, v3;
	v4 =	vand.u32 $0xFFFFFFF0, v49  }
0x2d: {  	v3 =	vor.u32 v3, v4  }
0x2e: {  	v4 =	vperm.xlane v3, v0;
	_ =	sdelay $0x1  }
0x2f: {  	v3 =	vperm.xlane v3, v2;
	v4 =	vadd.s32 v1, v4;
	_ =	sdelay $0x1  }
0x30: {  	v3 =	vadd.s32 v1, v3;
	_ =	sdelay $0x1  }
0x31: {  	s4 =	rddreg [dreg:$0x4]  }
0x32: {  	[tilespmem:s4], [sflag:$0x1] =	stream.indirect_vreg.gather [hbm4b:s3+s2], $0x80, v4, vm0, $0xb8;
	[tilespmem:$0x10800] =	vst v63  }
0x33: {  	s5 =	rddreg [dreg:$0x5]  }
0x34: {  	[tilespmem:s5], [sflag:$0x1] =	stream.indirect_vreg.gather [hbm4b:s3+s2], $0x80, v3, vm0, $0xb8;
	[tilespmem:$0x10800] =	vst v63  }
0x35: {  	v3 =	vld [tilespmem:s0+$0xFFFFFFA0];
	_ =	sdelay $0x4  }
0x36: {  	v50 =	vshll.u32 v3, $0x1  }
0x37: {  	v3 =	vand.u32 $0x7, v3;
	v4 =	vand.u32 $0xFFFFFFF0, v50  }
0x38: {  	v3 =	vor.u32 v3, v4  }
0x39: {  	v4 =	vperm.xlane v3, v0;
	_ =	sdelay $0x1  }
0x3a: {  	v3 =	vperm.xlane v3, v2;
	v4 =	vadd.s32 v1, v4;
	_ =	sdelay $0x1  }
0x3b: {  	v3 =	vadd.s32 v1, v3;
	_ =	sdelay $0x1  }
0x3c: {  	s4 =	rddreg [dreg:$0x6]  }
0x3d: {  	[tilespmem:s4], [sflag:$0x1] =	stream.indirect_vreg.gather [hbm4b:s3+s2], $0x80, v4, vm0, $0xb8;
	[tilespmem:$0x10800] =	vst v63  }
0x3e: {  	s5 =	rddreg [dreg:$0x7]  }
0x3f: {  	[tilespmem:s5], [sflag:$0x1] =	stream.indirect_vreg.gather [hbm4b:s3+s2], $0x80, v3, vm0, $0xb8;
	[tilespmem:$0x10800] =	vst v63  }
0x40: {  	v3 =	vld [tilespmem:s0+$0xFFFFFFB0];
	_ =	sdelay $0x4  }
0x41: {  	v51 =	vshll.u32 v3, $0x1  }
0x42: {  	v3 =	vand.u32 $0x7, v3;
	v4 =	vand.u32 $0xFFFFFFF0, v51  }
0x43: {  	v3 =	vor.u32 v3, v4  }
0x44: {  	v4 =	vperm.xlane v3, v0;
	_ =	sdelay $0x1  }
0x45: {  	v3 =	vperm.xlane v3, v2;
	v4 =	vadd.s32 v1, v4;
	_ =	sdelay $0x1  }
0x46: {  	v3 =	vadd.s32 v1, v3;
	_ =	sdelay $0x1  }
0x47: {  	s4 =	rddreg [dreg:$0x8]  }
0x48: {  	[tilespmem:s4], [sflag:$0x1] =	stream.indirect_vreg.gather [hbm4b:s3+s2], $0x80, v4, vm0, $0xb8;
	[tilespmem:$0x10800] =	vst v63  }
0x49: {  	s5 =	rddreg [dreg:$0x9]  }
0x4a: {  	[tilespmem:s5], [sflag:$0x1] =	stream.indirect_vreg.gather [hbm4b:s3+s2], $0x80, v3, vm0, $0xb8;
	[tilespmem:$0x10800] =	vst v63  }
0x4b: {  	v3 =	vld [tilespmem:s0+$0xFFFFFFC0];
	_ =	sdelay $0x4  }
0x4c: {  	v52 =	vshll.u32 v3, $0x1  }
0x4d: {  	v3 =	vand.u32 $0x7, v3;
	v4 =	vand.u32 $0xFFFFFFF0, v52  }
0x4e: {  	v3 =	vor.u32 v3, v4  }
0x4f: {  	v4 =	vperm.xlane v3, v0;
	_ =	sdelay $0x1  }
0x50: {  	v3 =	vperm.xlane v3, v2;
	v4 =	vadd.s32 v1, v4;
	_ =	sdelay $0x1  }
0x51: {  	v3 =	vadd.s32 v1, v3;
	_ =	sdelay $0x1  }
0x52: {  	s4 =	rddreg [dreg:$0xa]  }
0x53: {  	[tilespmem:s4], [sflag:$0x1] =	stream.indirect_vreg.gather [hbm4b:s3+s2], $0x80, v4, vm0, $0xb8;
	[tilespmem:$0x10800] =	vst v63  }
0x54: {  	s5 =	rddreg [dreg:$0xb]  }
0x55: {  	[tilespmem:s5], [sflag:$0x1] =	stream.indirect_vreg.gather [hbm4b:s3+s2], $0x80, v3, vm0, $0xb8;
	[tilespmem:$0x10800] =	vst v63  }
0x56: {  	v3 =	vld [tilespmem:s0+$0xFFFFFFD0];
	_ =	sdelay $0x4  }
0x57: {  	v53 =	vshll.u32 v3, $0x1  }
0x58: {  	v3 =	vand.u32 $0x7, v3;
	v4 =	vand.u32 $0xFFFFFFF0, v53  }
0x59: {  	v3 =	vor.u32 v3, v4  }
0x5a: {  	v4 =	vperm.xlane v3, v0;
	_ =	sdelay $0x1  }
0x5b: {  	v3 =	vperm.xlane v3, v2;
	v4 =	vadd.s32 v1, v4;
	_ =	sdelay $0x1  }
0x5c: {  	v3 =	vadd.s32 v1, v3;
	_ =	sdelay $0x1  }
0x5d: {  	s4 =	rddreg [dreg:$0xc]  }
0x5e: {  	[tilespmem:s4], [sflag:$0x1] =	stream.indirect_vreg.gather [hbm4b:s3+s2], $0x80, v4, vm0, $0xb8;
	[tilespmem:$0x10800] =	vst v63  }
0x5f: {  	s5 =	rddreg [dreg:$0xd]  }
0x60: {  	[tilespmem:s5], [sflag:$0x1] =	stream.indirect_vreg.gather [hbm4b:s3+s2], $0x80, v3, vm0, $0xb8;
	[tilespmem:$0x10800] =	vst v63  }
0x61: {  	v3 =	vld [tilespmem:s0+$0xFFFFFFE0];
	_ =	sdelay $0x4  }
0x62: {  	v54 =	vshll.u32 v3, $0x1  }
0x63: {  	v3 =	vand.u32 $0x7, v3;
	v4 =	vand.u32 $0xFFFFFFF0, v54  }
0x64: {  	v3 =	vor.u32 v3, v4  }
0x65: {  	v4 =	vperm.xlane v3, v0;
	_ =	sdelay $0x1  }
0x66: {  	v3 =	vperm.xlane v3, v2;
	v4 =	vadd.s32 v1, v4;
	_ =	sdelay $0x1  }
0x67: {  	v3 =	vadd.s32 v1, v3;
	_ =	sdelay $0x1  }
0x68: {  	s4 =	rddreg [dreg:$0xe]  }
0x69: {  	[tilespmem:s4], [sflag:$0x1] =	stream.indirect_vreg.gather [hbm4b:s3+s2], $0x80, v4, vm0, $0xb8;
	[tilespmem:$0x10800] =	vst v63  }
0x6a: {  	s5 =	rddreg [dreg:$0xf]  }
0x6b: {  	[tilespmem:s5], [sflag:$0x1] =	stream.indirect_vreg.gather [hbm4b:s3+s2], $0x80, v3, vm0, $0xb8;
	[tilespmem:$0x10800] =	vst v63  }
0x6c: {  	v3 =	vld [tilespmem:s0+$0xFFFFFFF0];
	_ =	sdelay $0x4  }
0x6d: {  	v55 =	vshll.u32 v3, $0x1  }
0x6e: {  	v3 =	vand.u32 $0x7, v3;
	v4 =	vand.u32 $0xFFFFFFF0, v55  }
0x6f: {  	v3 =	vor.u32 v3, v4  }
0x70: {  	v4 =	vperm.xlane v3, v0;
	_ =	sdelay $0x1  }
0x71: {  	v3 =	vperm.xlane v3, v2;
	v4 =	vadd.s32 v1, v4;
	_ =	sdelay $0x1  }
0x72: {  	v3 =	vadd.s32 v1, v3;
	_ =	sdelay $0x2  }
0x73: {  	[tilespmem:s8], [sflag:$0x1] =	stream.indirect_vreg.gather [hbm4b:s3+s2], $0x80, v4, vm0, $0xb8;
	[tilespmem:$0x10800] =	vst v63  }
0x74: {  	_ = 	snop  }
0x75: {  	[tilespmem:s9], [sflag:$0x1] =	stream.indirect_vreg.gather [hbm4b:s3+s2], $0x80, v3, vm0, $0xb8;
	[tilespmem:$0x10800] =	vst v63  }
0x76: {  	v3 =	vld [tilespmem:s0+$0x0];
	_ =	sdelay $0x4  }
0x77: {  	v56 =	vshll.u32 v3, $0x1  }
0x78: {  	v3 =	vand.u32 $0x7, v3;
	v4 =	vand.u32 $0xFFFFFFF0, v56  }
0x79: {  	v3 =	vor.u32 v3, v4  }
0x7a: {  	v4 =	vperm.xlane v3, v0;
	_ =	sdelay $0x1  }
0x7b: {  	v3 =	vperm.xlane v3, v2;
	v4 =	vadd.s32 v1, v4;
	_ =	sdelay $0x1  }
0x7c: {  	v3 =	vadd.s32 v1, v3;
	_ =	sdelay $0x2  }
0x7d: {  	[tilespmem:s10], [sflag:$0x2] =	stream.indirect_vreg.gather [hbm4b:s3+s2], $0x80, v4, vm0, $0xb8;
	[tilespmem:$0x10800] =	vst v63  }
0x7e: {  	_ = 	snop  }
0x7f: {  	[tilespmem:s11], [sflag:$0x2] =	stream.indirect_vreg.gather [hbm4b:s3+s2], $0x80, v3, vm0, $0xb8;
	[tilespmem:$0x10800] =	vst v63  }
0x80: {  	v3 =	vld [tilespmem:s0+$0x10];
	_ =	sdelay $0x4  }
0x81: {  	v57 =	vshll.u32 v3, $0x1  }
0x82: {  	v3 =	vand.u32 $0x7, v3;
	v4 =	vand.u32 $0xFFFFFFF0, v57  }
0x83: {  	v3 =	vor.u32 v3, v4  }
0x84: {  	v4 =	vperm.xlane v3, v0;
	_ =	sdelay $0x1  }
0x85: {  	v3 =	vperm.xlane v3, v2;
	v4 =	vadd.s32 v1, v4;
	_ =	sdelay $0x1  }
0x86: {  	v3 =	vadd.s32 v1, v3;
	_ =	sdelay $0x2  }
0x87: {  	[tilespmem:s12], [sflag:$0x2] =	stream.indirect_vreg.gather [hbm4b:s3+s2], $0x80, v4, vm0, $0xb8;
	[tilespmem:$0x10800] =	vst v63  }
0x88: {  	_ = 	snop  }
0x89: {  	[tilespmem:s13], [sflag:$0x2] =	stream.indirect_vreg.gather [hbm4b:s3+s2], $0x80, v3, vm0, $0xb8;
	[tilespmem:$0x10800] =	vst v63  }
0x8a: {  	v3 =	vld [tilespmem:s0+$0x20];
	_ =	sdelay $0x4  }
0x8b: {  	v58 =	vshll.u32 v3, $0x1  }
0x8c: {  	v3 =	vand.u32 $0x7, v3;
	v4 =	vand.u32 $0xFFFFFFF0, v58  }
0x8d: {  	v3 =	vor.u32 v3, v4  }
0x8e: {  	v4 =	vperm.xlane v3, v0;
	_ =	sdelay $0x1  }
0x8f: {  	v3 =	vperm.xlane v3, v2;
	v4 =	vadd.s32 v1, v4;
	_ =	sdelay $0x1  }
0x90: {  	v3 =	vadd.s32 v1, v3;
	_ =	sdelay $0x2  }
0x91: {  	[tilespmem:s14], [sflag:$0x2] =	stream.indirect_vreg.gather [hbm4b:s3+s2], $0x80, v4, vm0, $0xb8;
	[tilespmem:$0x10800] =	vst v63  }
0x92: {  	_ = 	snop  }
0x93: {  	[tilespmem:s15], [sflag:$0x2] =	stream.indirect_vreg.gather [hbm4b:s3+s2], $0x80, v3, vm0, $0xb8;
	[tilespmem:$0x10800] =	vst v63  }
0x94: {  	v3 =	vld [tilespmem:s0+$0x30];
	_ =	sdelay $0x4  }
0x95: {  	v59 =	vshll.u32 v3, $0x1  }
0x96: {  	v3 =	vand.u32 $0x7, v3;
	v4 =	vand.u32 $0xFFFFFFF0, v59  }
0x97: {  	v3 =	vor.u32 v3, v4  }
0x98: {  	v4 =	vperm.xlane v3, v0;
	_ =	sdelay $0x1  }
0x99: {  	v3 =	vperm.xlane v3, v2;
	v4 =	vadd.s32 v1, v4;
	_ =	sdelay $0x1  }
0x9a: {  	v3 =	vadd.s32 v1, v3;
	_ =	sdelay $0x2  }
0x9b: {  	[tilespmem:s16], [sflag:$0x2] =	stream.indirect_vreg.gather [hbm4b:s3+s2], $0x80, v4, vm0, $0xb8;
	[tilespmem:$0x10800] =	vst v63  }
0x9c: {  	_ = 	snop  }
0x9d: {  	[tilespmem:s17], [sflag:$0x2] =	stream.indirect_vreg.gather [hbm4b:s3+s2], $0x80, v3, vm0, $0xb8;
	[tilespmem:$0x10800] =	vst v63  }
0x9e: {  	v3 =	vld [tilespmem:s0+$0x40];
	_ =	sdelay $0x4  }
0x9f: {  	v60 =	vshll.u32 v3, $0x1  }
0xa0: {  	v3 =	vand.u32 $0x7, v3;
	v4 =	vand.u32 $0xFFFFFFF0, v60  }
0xa1: {  	v3 =	vor.u32 v3, v4  }
0xa2: {  	v4 =	vperm.xlane v3, v0;
	_ =	sdelay $0x1  }
0xa3: {  	v3 =	vperm.xlane v3, v2;
	v4 =	vadd.s32 v1, v4;
	_ =	sdelay $0x1  }
0xa4: {  	v3 =	vadd.s32 v1, v3;
	_ =	sdelay $0x2  }
0xa5: {  	[tilespmem:s18], [sflag:$0x2] =	stream.indirect_vreg.gather [hbm4b:s3+s2], $0x80, v4, vm0, $0xb8;
	[tilespmem:$0x10800] =	vst v63  }
0xa6: {  	_ = 	snop  }
0xa7: {  	[tilespmem:s19], [sflag:$0x2] =	stream.indirect_vreg.gather [hbm4b:s3+s2], $0x80, v3, vm0, $0xb8;
	[tilespmem:$0x10800] =	vst v63  }
0xa8: {  	v3 =	vld [tilespmem:s0+$0x50];
	_ =	sdelay $0x4  }
0xa9: {  	v61 =	vshll.u32 v3, $0x1  }
0xaa: {  	v3 =	vand.u32 $0x7, v3;
	v4 =	vand.u32 $0xFFFFFFF0, v61  }
0xab: {  	v3 =	vor.u32 v3, v4  }
0xac: {  	v4 =	vperm.xlane v3, v0;
	_ =	sdelay $0x1  }
0xad: {  	v3 =	vperm.xlane v3, v2;
	v4 =	vadd.s32 v1, v4;
	_ =	sdelay $0x1  }
0xae: {  	v3 =	vadd.s32 v1, v3;
	_ =	sdelay $0x2  }
0xaf: {  	[tilespmem:s20], [sflag:$0x2] =	stream.indirect_vreg.gather [hbm4b:s3+s2], $0x80, v4, vm0, $0xb8;
	[tilespmem:$0x10800] =	vst v63  }
0xb0: {  	_ = 	snop  }
0xb1: {  	[tilespmem:s21], [sflag:$0x2] =	stream.indirect_vreg.gather [hbm4b:s3+s2], $0x80, v3, vm0, $0xb8;
	[tilespmem:$0x10800] =	vst v63  }
0xb2: {  	v3 =	vld [tilespmem:s0+$0x60];
	_ =	sdelay $0x4  }
0xb3: {  	v62 =	vshll.u32 v3, $0x1  }
0xb4: {  	v3 =	vand.u32 $0x7, v3;
	v4 =	vand.u32 $0xFFFFFFF0, v62  }
0xb5: {  	v3 =	vor.u32 v3, v4  }
0xb6: {  	v4 =	vperm.xlane v3, v0;
	_ =	sdelay $0x1  }
0xb7: {  	v3 =	vperm.xlane v3, v2;
	v4 =	vadd.s32 v1, v4;
	_ =	sdelay $0x1  }
0xb8: {  	v3 =	vadd.s32 v1, v3;
	_ =	sdelay $0x2  }
0xb9: {  	[tilespmem:s22], [sflag:$0x2] =	stream.indirect_vreg.gather [hbm4b:s3+s2], $0x80, v4, vm0, $0xb8;
	[tilespmem:$0x10800] =	vst v63  }
0xba: {  	_ = 	snop  }
0xbb: {  	[tilespmem:s23], [sflag:$0x2] =	stream.indirect_vreg.gather [hbm4b:s3+s2], $0x80, v3, vm0, $0xb8;
	[tilespmem:$0x10800] =	vst v63  }
0xbc: {  	v3 =	vld [tilespmem:s0+$0x70];
	_ =	sdelay $0x4  }
0xbd: {  	v63 =	vshll.u32 v3, $0x1  }
0xbe: {  	v3 =	vand.u32 $0x7, v3;
	v4 =	vand.u32 $0xFFFFFFF0, v63  }
0xbf: {  	v3 =	vor.u32 v3, v4  }
0xc0: {  	v4 =	vperm.xlane v3, v0;
	_ =	sdelay $0x1  }
0xc1: {  	v3 =	vperm.xlane v3, v2;
	v4 =	vadd.s32 v1, v4;
	_ =	sdelay $0x1  }
0xc2: {  	v3 =	vadd.s32 v1, v3;
	_ =	sdelay $0x2  }
0xc3: {  	[tilespmem:s24], [sflag:$0x2] =	stream.indirect_vreg.gather [hbm4b:s3+s2], $0x80, v4, vm0, $0xb8;
	[tilespmem:$0x10800] =	vst v63  }
0xc4: {  	_ = 	snop  }
0xc5: {  	[tilespmem:s25], [sflag:$0x2] =	stream.indirect_vreg.gather [hbm4b:s3+s2], $0x80, v3, vm0, $0xb8;
	[tilespmem:$0x10800] =	vst v63  }
0xc6: {  	_ =	swait.ge [sflag:s26], $0x8000  }
0xc7: {  	s5 =	rddreg [dreg:$0x2];
	[sflag:s26] =	ssyncset.done $0x0  }
0xc8: {  	[sflag:s26] =	ssyncadd.s32 $0xFFFF8000;
	s4 =	sadd.s32 s1, s5  }
0xc9: {  	[hbm4b:s4+s2] =	stream.linear.scatter [tilespmem:s7], [sflag:$0x3], $0x8000, $0x38;
	[tilespmem:$0x10800] =	vst v63  }
0xca: {  	_ =	swait.ge [sflag:s28], $0x8000  }
0xcb: {  	[sflag:s28] =	ssyncset.done $0x0  }
0xcc: {  	s4 =	sadd.s32 $0x1000, s4;
	[sflag:s28] =	ssyncadd.s32 $0xFFFF8000  }
0xcd: {  	[hbm4b:s4+s2] =	stream.linear.scatter [tilespmem:s10], [sflag:$0x4], $0x8000, $0x38;
	[tilespmem:$0x10800] =	vst v63  }
0xce: {  	p0 =	sne.s32 s1, $0xE000;
	_ =	swait.ge [sflag:s29], $0x8000  }
.Ltmp0:
0xcf: {  	[sflag:s29] =	ssyncset.done $0x0;
	(pc) =	sbr.rel @p0 .LBB2_2-.Ltmp0, $4  }
0xd0: {  	[sflag:s29] =	ssyncadd.s32 $0xFFFF8000  }
0xd1: {  	_ =	swait.ge [sflag:s30], $0x8000  }
0xd2: {  	[sflag:s30] =	ssyncset.done $0x0  }
0xd3: {  	s0 =	sadd.s32 $0x100, s0;
	s1 =	sadd.s32 $0x2000, s1;
	[sflag:s30] =	ssyncadd.s32 $0xFFFF8000  }
0xd4: {  	s31 =	sadd.s32 $0x1, s31;
	s0 =	rddreg [dreg:$0x11]  }
0xd5: {  	p0 =	sne.s32 s31, s0  }
.Ltmp1:
0xd6: {  	_ = 	snop;
	(pc) =	sbr.rel @p0 .LBB2_1-.Ltmp1, $1  }
0xd7: {  	_ =	sdelay $0x3  }
0xd8: {  	_ =	sfence.sel $0x180000  }
0xd9: {  	[bflag:$0x0] =	sbarrier.arrive $0xFFFF  }
0xda: {  	_ =	strace $0x9000004A  }
0xdb: {  	s0 =	stileid.u32;
	[bflag:$0x2] =	sbarrier.arrive $0xFFFF  }
0xdc: {  	p0 =	sne.s32 s0, $0x0;
	s0 =	rddreg [dreg:$0x1]  }
0xdd: {  	s0 =	sadd.s32 @!p0 $0x100000, s0  }
0xde: {  	[sflag:s0] =	ssyncadd.tile.s32 @!p0 $0x1;
	_ =	shalt  }
.Lfunc_end2:
_tile_overlayer_lowered:
.L_overlay_start_2:
0xdf: {  	(tag) =	ssettag $0x2  }
0xe0: {  	s0 =	rddreg [dreg:$0x0];
	s2 =	stileid.u32  }
0xe1: {  	s1 =	rddreg [dreg:$0x1];
	p0 =	sne.s32 s2, $0x0  }
0xe2: {  	s3 =	rddreg [dreg:$0x2];
	[bflag:$0x3] =	sbarrier.arrive $0xFFFF;
	s2 =	simm.s32 @!p0 $0x1C05  }
0xe3: {  	[timem:s3], [sflag:s2] =	dma.local @!p0 [hbm:s0], s1  }
0xe4: {  	s0 =	simm.s32 @!p0 $0x5  }
0xe5: {  	_ =	swait.ge @!p0 [sflag:s0], s1  }
0xe6: {  	s1 =	ssub.s32 @!p0 $0x0, s1;
	[sflag:s0] =	ssyncset.done @!p0 $0x0  }
0xe7: {  	[sflag:s0] =	ssyncadd.s32 @!p0 s1  }
0xe8: {  	[bflag:$0x3] =	sbarrier.arrive $0xFFFF  }
0xe9: {  	_ =	shalt  }

</sc_bundles>
